<compile_context>
chip_gen: v7x
topology: tpu7x:2x2x1
jax: 0.10.2.dev20260603
libtpu: 0.0.44.dev20260713+nightly
codegen_flags: <defaults>
</compile_context>

<pallas_src>
import functools

import jax
import jax.numpy as jnp
from jax import lax
from jax.experimental import pallas as pl
from jax.experimental.pallas import tpu as pltpu
from jax.experimental.pallas import tpu_sc as plsc

NUM_EMB = 1000000
DIM = 32
BATCH = 16384
HIST = 50
NC = 2
NS = 16
NW = NC * NS
TBW = BATCH // 128 // NW
NBLK = HIST * TBW
L = 16


def _transpose_block(rbuf, tbuf):
    lanes = lax.iota(jnp.int32, L)
    td_lo = lanes // 8
    td_hi = td_lo + 2
    r_pat = lanes % 8

    def col(c, carry):
        v0 = rbuf[c, pl.ds(0, L)]
        v1 = rbuf[c, pl.ds(L, L)]
        cs = jnp.full((L,), c, jnp.int32)
        plsc.store_scatter(tbuf, [td_lo, r_pat, cs], v0)
        plsc.store_scatter(tbuf, [td_hi, r_pat, cs], v1)
        return carry

    lax.fori_loop(0, 128, col, 0, unroll=8)


def _body(tok_hbm, table_hbm, out_hbm, idx_v, r0, r1, t0, t1, gs0, gs1,
          os0, os1):
    wid = lax.axis_index("s") * NC + lax.axis_index("c")
    rbufs, tbufs = (r0, r1), (t0, t1)
    gsems, osems = (gs0, gs1), (os0, os1)
    pltpu.sync_copy(tok_hbm.at[:, pl.ds(512 * wid, 512)], idx_v)

    def idx_of(g):
        return idx_v.at[g // TBW, pl.ds(128 * (g % TBW), 128)]

    def fire_gather(g, s):
        pltpu.async_copy(table_hbm.at[idx_of(g)], rbufs[s], gsems[s])

    def wait_gather(s):
        pltpu.make_async_copy(
            table_hbm.at[pl.ds(0, 128)], rbufs[s], gsems[s]
        ).wait()

    def fire_out(g, s):
        h, tb = g // TBW, 4 * wid + (g % TBW)
        for td in range(4):
            pltpu.async_copy(
                tbufs[s].at[td, :, pl.ds(0, 128)], out_hbm.at[h, td, tb],
                osems[s],
            )

    def wait_out(s):
        for td in range(4):
            pltpu.make_async_copy(
                tbufs[s].at[td, :, pl.ds(0, 128)], out_hbm.at[0, td, 0],
                osems[s],
            ).wait()

    fire_gather(0, 0)
    fire_gather(1, 1)

    def step(g, _):
        for s in range(2):
            @pl.when(g >= 2)
            def _free():
                wait_out(s)
            wait_gather(s)
            _transpose_block(rbufs[s], tbufs[s])

            @pl.when(g + 2 + s < NBLK)
            def _refill():
                fire_gather(g + 2 + s, s)
            fire_out(g + s, s)
        return _

    lax.fori_loop(0, NBLK // 2, lambda i, c: step(2 * i, c), 0, unroll=False)
    wait_out(0)
    wait_out(1)


@functools.lru_cache(maxsize=1)
def _build():
    mesh = plsc.VectorSubcoreMesh(core_axis_name="c", subcore_axis_name="s")
    return pl.kernel(
        _body,
        out_type=jax.ShapeDtypeStruct((HIST, 4, 128, 8, 128), jnp.float32),
        mesh=mesh,
        scratch_types=(
            [pltpu.VMEM((HIST, 512), jnp.int32)]
            + [pltpu.VMEM((128, DIM), jnp.float32) for _ in range(2)]
            + [pltpu.VMEM((4, 8, 129), jnp.float32) for _ in range(2)]
            + [pltpu.SemaphoreType.DMA for _ in range(4)]
        ),
        compiler_params=pltpu.CompilerParams(
            use_tc_tiling_on_sc=False, needs_layout_passes=False
        ),
    )


def kernel(token_ids, embeddings):
    tok_t = jnp.transpose(token_ids)
    x = _build()(tok_t, embeddings)
    return x.transpose(2, 4, 0, 1, 3).reshape(BATCH, HIST, DIM)

# --- scband reference (transcript-rebuilt; emitter-appended) ---
"""Pipeline reference for scband-embedding-7060926234627 (READ-ONLY COPY).

The authoritative reference and input builder live on the scoring server;
editing this copy changes nothing except your own understanding.
"""

import jax, jax.numpy as jnp
import numpy as np

NUM_EMBEDDINGS = 1000000
EMBEDDING_DIM = 32
BATCH = 16384
HIST = 50

def setup_inputs(seed: int = 0) -> dict:
    key = jax.random.key(seed)
    k1, k2 = jax.random.split(key)
    token_ids = jax.random.randint(k1, (BATCH, HIST), 0, NUM_EMBEDDINGS, dtype=jnp.int64 if jax.config.jax_enable_x64 else jnp.int32)
    # trunc_normal_(std=1, a=-3, b=3)
    embeddings = jax.random.truncated_normal(k2, -3.0, 3.0, (NUM_EMBEDDINGS, EMBEDDING_DIM), dtype=jnp.float32)
    return {"token_ids": token_ids, "embeddings": embeddings}

def reference(token_ids, embeddings):
    # self.embeddings[token_ids] -> gather rows
    return jnp.take(embeddings, token_ids, axis=0)

if __name__ == "__main__":
    import jax
    _d = setup_inputs()
    print(jax.jit(kernel)(*tuple(_d.values())))

</pallas_src>

<mosaic_0001>
#map = affine_map<(d0, d1) -> (0, 0)>
#map1 = affine_map<(d0, d1) -> (0, 0, 0, 0, 0)>
module attributes {stable_mosaic.version = 14 : i64} {
  func.func @_body(%arg0: i32, %arg1: i32, %arg2: memref<50x16384xi32, #tpu.memory_space<hbm>>, %arg3: memref<1000000x32xf32, #tpu.memory_space<hbm>>, %arg4: memref<50x4x128x8x128xf32, #tpu.memory_space<hbm>>, %arg5: memref<50x512xi32, #tpu.memory_space<vmem>>, %arg6: memref<128x32xf32, #tpu.memory_space<vmem>>, %arg7: memref<128x32xf32, #tpu.memory_space<vmem>>, %arg8: memref<4x8x129xf32, #tpu.memory_space<vmem>>, %arg9: memref<4x8x129xf32, #tpu.memory_space<vmem>>, %arg10: memref<!tpu.dma_semaphore, #tpu.memory_space<semaphore_mem>>, %arg11: memref<!tpu.dma_semaphore, #tpu.memory_space<semaphore_mem>>, %arg12: memref<!tpu.dma_semaphore, #tpu.memory_space<semaphore_mem>>, %arg13: memref<!tpu.dma_semaphore, #tpu.memory_space<semaphore_mem>>) attributes {dimension_semantics = [#tpu.dimension_semantics<core_parallel>, #tpu.dimension_semantics<subcore_parallel>], iteration_bounds = array<i64: 2, 16>, scalar_prefetch = 0 : i64, scratch_operands = 9 : i64, tpu.core_type = #tpu.core_type<sc_vector_subcore>, window_params = [{transform_indices = #map}, {transform_indices = #map}, {transform_indices = #map1}]} {
    %mul3A = arith.constant 2 : i32
    %mul3A_0 = arith.muli %arg1, %mul3A : i32
    %add3A = arith.addi %mul3A_0, %arg0 : i32
    %mul3A_1 = arith.constant 512 : i32
    %mul3A_2 = arith.muli %mul3A_1, %add3A : i32
    "tpu.region"() ({
      %run_scoped3A = tpu.sem_alloc : memref<!tpu.dma_semaphore, #tpu.memory_space<semaphore_mem>>
      %dma_start3A_180 = arith.constant 0 : i32
      %dma_start3A_181 = tpu.memref_slice %arg2[%dma_start3A_180, %mul3A_2] : memref<50x16384xi32, #tpu.memory_space<hbm>> -> memref<50x512xi32, #tpu.memory_space<hbm>>
      %dma_start3A_182 = arith.constant 0 : i32
      %dma_start3A_183 = tpu.memref_slice %arg2[%dma_start3A_182, %mul3A_2] : memref<50x16384xi32, #tpu.memory_space<hbm>> -> memref<50x512xi32, #tpu.memory_space<hbm>>
      tpu.enqueue_dma source(%dma_start3A_183 : memref<50x512xi32, #tpu.memory_space<hbm>>) target(%arg5 : memref<50x512xi32, #tpu.memory_space<vmem>>) target_semaphore(%run_scoped3A : memref<!tpu.dma_semaphore, #tpu.memory_space<semaphore_mem>>)
      %dma_wait3A_184 = arith.constant 0 : i32
      %dma_wait3A_185 = tpu.memref_slice %arg2[%dma_wait3A_184, %mul3A_2] : memref<50x16384xi32, #tpu.memory_space<hbm>> -> memref<50x512xi32, #tpu.memory_space<hbm>>
      %dma_wait3A_186 = arith.constant 0 : i32
      %dma_wait3A_187 = tpu.memref_slice %arg2[%dma_wait3A_186, %mul3A_2] : memref<50x16384xi32, #tpu.memory_space<hbm>> -> memref<50x512xi32, #tpu.memory_space<hbm>>
      tpu.wait_dma2 semaphore(%run_scoped3A : memref<!tpu.dma_semaphore, #tpu.memory_space<semaphore_mem>>) src(%dma_wait3A_187 : memref<50x512xi32, #tpu.memory_space<hbm>>) dst(%arg5 : memref<50x512xi32, #tpu.memory_space<vmem>>)
      tpu.yield
    }) : () -> ()
    %dma_start3A = arith.constant 0 : i32
    %dma_start3A_3 = arith.constant 0 : i32
    %dma_start3A_4 = tpu.memref_slice %arg5[%dma_start3A, %dma_start3A_3] : memref<50x512xi32, #tpu.memory_space<vmem>> -> memref<1x128xi32, #tpu.memory_space<vmem>>
    %dma_start3A_5 = tpu.memref_squeeze %dma_start3A_4 : memref<1x128xi32, #tpu.memory_space<vmem>> -> memref<128xi32, #tpu.memory_space<vmem>>
    %dma_start3A_6 = arith.constant 0 : i32
    %dma_start3A_7 = arith.constant 0 : i32
    %dma_start3A_8 = tpu.memref_slice %arg3[%dma_start3A_6, %dma_start3A_7] : memref<1000000x32xf32, #tpu.memory_space<hbm>> -> memref<1000000x32xf32, #tpu.memory_space<hbm>>
    tpu.enqueue_indirect_dma source(%dma_start3A_8 : memref<1000000x32xf32, #tpu.memory_space<hbm>>) target(%arg6 : memref<128x32xf32, #tpu.memory_space<vmem>>) offsets(%dma_start3A_5 : memref<128xi32, #tpu.memory_space<vmem>>) semaphore(%arg10 : memref<!tpu.dma_semaphore, #tpu.memory_space<semaphore_mem>>)
    %dma_start3A_9 = arith.constant 0 : i32
    %dma_start3A_10 = arith.constant 128 : i32
    %dma_start3A_11 = tpu.memref_slice %arg5[%dma_start3A_9, %dma_start3A_10] : memref<50x512xi32, #tpu.memory_space<vmem>> -> memref<1x128xi32, #tpu.memory_space<vmem>>
    %dma_start3A_12 = tpu.memref_squeeze %dma_start3A_11 : memref<1x128xi32, #tpu.memory_space<vmem>> -> memref<128xi32, #tpu.memory_space<vmem>>
    %dma_start3A_13 = arith.constant 0 : i32
    %dma_start3A_14 = arith.constant 0 : i32
    %dma_start3A_15 = tpu.memref_slice %arg3[%dma_start3A_13, %dma_start3A_14] : memref<1000000x32xf32, #tpu.memory_space<hbm>> -> memref<1000000x32xf32, #tpu.memory_space<hbm>>
    tpu.enqueue_indirect_dma source(%dma_start3A_15 : memref<1000000x32xf32, #tpu.memory_space<hbm>>) target(%arg7 : memref<128x32xf32, #tpu.memory_space<vmem>>) offsets(%dma_start3A_12 : memref<128xi32, #tpu.memory_space<vmem>>) semaphore(%arg11 : memref<!tpu.dma_semaphore, #tpu.memory_space<semaphore_mem>>)
    %scan3A = arith.constant 0 : i32
    %scan3A_16 = arith.constant 0 : i32
    %scan3A_17 = arith.constant 100 : i32
    %scan3A_18 = arith.addi %scan3A_16, %scan3A_17 : i32
    %scan3A_19 = arith.constant 1 : i32
    scf.for %scan3A_180 = %scan3A_16 to %scan3A_18 step %scan3A_19  : i32 {
      %mul3A_181 = arith.constant 2 : i32
      %mul3A_182 = arith.muli %mul3A_181, %scan3A_180 : i32
      %ge3A = arith.constant 2 : i32
      %ge3A_183 = arith.cmpi sge, %mul3A_182, %ge3A : i32
      %convert_element_type3A = arith.extui %ge3A_183 : i1 to i32
      %cond3A = arith.constant 0 : i32
      %cond3A_184 = arith.cmpi ne, %convert_element_type3A, %cond3A : i32
      scf.if %cond3A_184 {
        %dma_wait3A_569 = arith.constant 0 : i32
        %dma_wait3A_570 = arith.constant 0 : i32
        %dma_wait3A_571 = arith.constant 0 : i32
        %dma_wait3A_572 = arith.constant 0 : i32
        %dma_wait3A_573 = arith.constant 0 : i32
        %dma_wait3A_574 = arith.constant 0 : i32
        %dma_wait3A_575 = tpu.memref_slice %arg8[%dma_wait3A_569, %dma_wait3A_573, %dma_wait3A_574] : memref<4x8x129xf32, #tpu.memory_space<vmem>> -> memref<1x8x128xf32, #tpu.memory_space<vmem>>
        %dma_wait3A_576 = tpu.memref_squeeze %dma_wait3A_575 : memref<1x8x128xf32, #tpu.memory_space<vmem>> -> memref<8x128xf32, #tpu.memory_space<vmem>>
        %dma_wait3A_577 = arith.constant 0 : i32
        %dma_wait3A_578 = arith.constant 0 : i32
        %dma_wait3A_579 = tpu.memref_slice %arg4[%dma_wait3A_570, %dma_wait3A_571, %dma_wait3A_572, %dma_wait3A_577, %dma_wait3A_578] : memref<50x4x128x8x128xf32, #tpu.memory_space<hbm>> -> memref<1x1x1x8x128xf32, #tpu.memory_space<hbm>>
        %dma_wait3A_580 = tpu.memref_squeeze %dma_wait3A_579 : memref<1x1x1x8x128xf32, #tpu.memory_space<hbm>> -> memref<8x128xf32, #tpu.memory_space<hbm>>
        %dma_wait3A_581 = arith.constant 0 : i32
        %dma_wait3A_582 = arith.constant 0 : i32
        %dma_wait3A_583 = tpu.memref_slice %arg4[%dma_wait3A_570, %dma_wait3A_571, %dma_wait3A_572, %dma_wait3A_581, %dma_wait3A_582] : memref<50x4x128x8x128xf32, #tpu.memory_space<hbm>> -> memref<1x1x1x8x128xf32, #tpu.memory_space<hbm>>
        %dma_wait3A_584 = tpu.memref_squeeze %dma_wait3A_583 : memref<1x1x1x8x128xf32, #tpu.memory_space<hbm>> -> memref<8x128xf32, #tpu.memory_space<hbm>>
        %dma_wait3A_585 = arith.constant 0 : i32
        %dma_wait3A_586 = arith.constant 0 : i32
        %dma_wait3A_587 = tpu.memref_slice %arg8[%dma_wait3A_569, %dma_wait3A_585, %dma_wait3A_586] : memref<4x8x129xf32, #tpu.memory_space<vmem>> -> memref<1x8x128xf32, #tpu.memory_space<vmem>>
        %dma_wait3A_588 = tpu.memref_squeeze %dma_wait3A_587 : memref<1x8x128xf32, #tpu.memory_space<vmem>> -> memref<8x128xf32, #tpu.memory_space<vmem>>
        tpu.wait_dma2 semaphore(%arg12 : memref<!tpu.dma_semaphore, #tpu.memory_space<semaphore_mem>>) src(%dma_wait3A_588 : memref<8x128xf32, #tpu.memory_space<vmem>>) dst(%dma_wait3A_584 : memref<8x128xf32, #tpu.memory_space<hbm>>)
        %dma_wait3A_589 = arith.constant 1 : i32
        %dma_wait3A_590 = arith.constant 0 : i32
        %dma_wait3A_591 = arith.constant 1 : i32
        %dma_wait3A_592 = arith.constant 0 : i32
        %dma_wait3A_593 = arith.constant 0 : i32
        %dma_wait3A_594 = arith.constant 0 : i32
        %dma_wait3A_595 = tpu.memref_slice %arg8[%dma_wait3A_589, %dma_wait3A_593, %dma_wait3A_594] : memref<4x8x129xf32, #tpu.memory_space<vmem>> -> memref<1x8x128xf32, #tpu.memory_space<vmem>>
        %dma_wait3A_596 = tpu.memref_squeeze %dma_wait3A_595 : memref<1x8x128xf32, #tpu.memory_space<vmem>> -> memref<8x128xf32, #tpu.memory_space<vmem>>
        %dma_wait3A_597 = arith.constant 0 : i32
        %dma_wait3A_598 = arith.constant 0 : i32
        %dma_wait3A_599 = tpu.memref_slice %arg4[%dma_wait3A_590, %dma_wait3A_591, %dma_wait3A_592, %dma_wait3A_597, %dma_wait3A_598] : memref<50x4x128x8x128xf32, #tpu.memory_space<hbm>> -> memref<1x1x1x8x128xf32, #tpu.memory_space<hbm>>
        %dma_wait3A_600 = tpu.memref_squeeze %dma_wait3A_599 : memref<1x1x1x8x128xf32, #tpu.memory_space<hbm>> -> memref<8x128xf32, #tpu.memory_space<hbm>>
        %dma_wait3A_601 = arith.constant 0 : i32
        %dma_wait3A_602 = arith.constant 0 : i32
        %dma_wait3A_603 = tpu.memref_slice %arg4[%dma_wait3A_590, %dma_wait3A_591, %dma_wait3A_592, %dma_wait3A_601, %dma_wait3A_602] : memref<50x4x128x8x128xf32, #tpu.memory_space<hbm>> -> memref<1x1x1x8x128xf32, #tpu.memory_space<hbm>>
        %dma_wait3A_604 = tpu.memref_squeeze %dma_wait3A_603 : memref<1x1x1x8x128xf32, #tpu.memory_space<hbm>> -> memref<8x128xf32, #tpu.memory_space<hbm>>
        %dma_wait3A_605 = arith.constant 0 : i32
        %dma_wait3A_606 = arith.constant 0 : i32
        %dma_wait3A_607 = tpu.memref_slice %arg8[%dma_wait3A_589, %dma_wait3A_605, %dma_wait3A_606] : memref<4x8x129xf32, #tpu.memory_space<vmem>> -> memref<1x8x128xf32, #tpu.memory_space<vmem>>
        %dma_wait3A_608 = tpu.memref_squeeze %dma_wait3A_607 : memref<1x8x128xf32, #tpu.memory_space<vmem>> -> memref<8x128xf32, #tpu.memory_space<vmem>>
        tpu.wait_dma2 semaphore(%arg12 : memref<!tpu.dma_semaphore, #tpu.memory_space<semaphore_mem>>) src(%dma_wait3A_608 : memref<8x128xf32, #tpu.memory_space<vmem>>) dst(%dma_wait3A_604 : memref<8x128xf32, #tpu.memory_space<hbm>>)
        %dma_wait3A_609 = arith.constant 2 : i32
        %dma_wait3A_610 = arith.constant 0 : i32
        %dma_wait3A_611 = arith.constant 2 : i32
        %dma_wait3A_612 = arith.constant 0 : i32
        %dma_wait3A_613 = arith.constant 0 : i32
        %dma_wait3A_614 = arith.constant 0 : i32
        %dma_wait3A_615 = tpu.memref_slice %arg8[%dma_wait3A_609, %dma_wait3A_613, %dma_wait3A_614] : memref<4x8x129xf32, #tpu.memory_space<vmem>> -> memref<1x8x128xf32, #tpu.memory_space<vmem>>
        %dma_wait3A_616 = tpu.memref_squeeze %dma_wait3A_615 : memref<1x8x128xf32, #tpu.memory_space<vmem>> -> memref<8x128xf32, #tpu.memory_space<vmem>>
        %dma_wait3A_617 = arith.constant 0 : i32
        %dma_wait3A_618 = arith.constant 0 : i32
        %dma_wait3A_619 = tpu.memref_slice %arg4[%dma_wait3A_610, %dma_wait3A_611, %dma_wait3A_612, %dma_wait3A_617, %dma_wait3A_618] : memref<50x4x128x8x128xf32, #tpu.memory_space<hbm>> -> memref<1x1x1x8x128xf32, #tpu.memory_space<hbm>>
        %dma_wait3A_620 = tpu.memref_squeeze %dma_wait3A_619 : memref<1x1x1x8x128xf32, #tpu.memory_space<hbm>> -> memref<8x128xf32, #tpu.memory_space<hbm>>
        %dma_wait3A_621 = arith.constant 0 : i32
        %dma_wait3A_622 = arith.constant 0 : i32
        %dma_wait3A_623 = tpu.memref_slice %arg4[%dma_wait3A_610, %dma_wait3A_611, %dma_wait3A_612, %dma_wait3A_621, %dma_wait3A_622] : memref<50x4x128x8x128xf32, #tpu.memory_space<hbm>> -> memref<1x1x1x8x128xf32, #tpu.memory_space<hbm>>
        %dma_wait3A_624 = tpu.memref_squeeze %dma_wait3A_623 : memref<1x1x1x8x128xf32, #tpu.memory_space<hbm>> -> memref<8x128xf32, #tpu.memory_space<hbm>>
        %dma_wait3A_625 = arith.constant 0 : i32
        %dma_wait3A_626 = arith.constant 0 : i32
        %dma_wait3A_627 = tpu.memref_slice %arg8[%dma_wait3A_609, %dma_wait3A_625, %dma_wait3A_626] : memref<4x8x129xf32, #tpu.memory_space<vmem>> -> memref<1x8x128xf32, #tpu.memory_space<vmem>>
        %dma_wait3A_628 = tpu.memref_squeeze %dma_wait3A_627 : memref<1x8x128xf32, #tpu.memory_space<vmem>> -> memref<8x128xf32, #tpu.memory_space<vmem>>
        tpu.wait_dma2 semaphore(%arg12 : memref<!tpu.dma_semaphore, #tpu.memory_space<semaphore_mem>>) src(%dma_wait3A_628 : memref<8x128xf32, #tpu.memory_space<vmem>>) dst(%dma_wait3A_624 : memref<8x128xf32, #tpu.memory_space<hbm>>)
        %dma_wait3A_629 = arith.constant 3 : i32
        %dma_wait3A_630 = arith.constant 0 : i32
        %dma_wait3A_631 = arith.constant 3 : i32
        %dma_wait3A_632 = arith.constant 0 : i32
        %dma_wait3A_633 = arith.constant 0 : i32
        %dma_wait3A_634 = arith.constant 0 : i32
        %dma_wait3A_635 = tpu.memref_slice %arg8[%dma_wait3A_629, %dma_wait3A_633, %dma_wait3A_634] : memref<4x8x129xf32, #tpu.memory_space<vmem>> -> memref<1x8x128xf32, #tpu.memory_space<vmem>>
        %dma_wait3A_636 = tpu.memref_squeeze %dma_wait3A_635 : memref<1x8x128xf32, #tpu.memory_space<vmem>> -> memref<8x128xf32, #tpu.memory_space<vmem>>
        %dma_wait3A_637 = arith.constant 0 : i32
        %dma_wait3A_638 = arith.constant 0 : i32
        %dma_wait3A_639 = tpu.memref_slice %arg4[%dma_wait3A_630, %dma_wait3A_631, %dma_wait3A_632, %dma_wait3A_637, %dma_wait3A_638] : memref<50x4x128x8x128xf32, #tpu.memory_space<hbm>> -> memref<1x1x1x8x128xf32, #tpu.memory_space<hbm>>
        %dma_wait3A_640 = tpu.memref_squeeze %dma_wait3A_639 : memref<1x1x1x8x128xf32, #tpu.memory_space<hbm>> -> memref<8x128xf32, #tpu.memory_space<hbm>>
        %dma_wait3A_641 = arith.constant 0 : i32
        %dma_wait3A_642 = arith.constant 0 : i32
        %dma_wait3A_643 = tpu.memref_slice %arg4[%dma_wait3A_630, %dma_wait3A_631, %dma_wait3A_632, %dma_wait3A_641, %dma_wait3A_642] : memref<50x4x128x8x128xf32, #tpu.memory_space<hbm>> -> memref<1x1x1x8x128xf32, #tpu.memory_space<hbm>>
        %dma_wait3A_644 = tpu.memref_squeeze %dma_wait3A_643 : memref<1x1x1x8x128xf32, #tpu.memory_space<hbm>> -> memref<8x128xf32, #tpu.memory_space<hbm>>
        %dma_wait3A_645 = arith.constant 0 : i32
        %dma_wait3A_646 = arith.constant 0 : i32
        %dma_wait3A_647 = tpu.memref_slice %arg8[%dma_wait3A_629, %dma_wait3A_645, %dma_wait3A_646] : memref<4x8x129xf32, #tpu.memory_space<vmem>> -> memref<1x8x128xf32, #tpu.memory_space<vmem>>
        %dma_wait3A_648 = tpu.memref_squeeze %dma_wait3A_647 : memref<1x8x128xf32, #tpu.memory_space<vmem>> -> memref<8x128xf32, #tpu.memory_space<vmem>>
        tpu.wait_dma2 semaphore(%arg12 : memref<!tpu.dma_semaphore, #tpu.memory_space<semaphore_mem>>) src(%dma_wait3A_648 : memref<8x128xf32, #tpu.memory_space<vmem>>) dst(%dma_wait3A_644 : memref<8x128xf32, #tpu.memory_space<hbm>>)
      } else {
      }
      %dma_wait3A_185 = arith.constant 0 : i32
      %dma_wait3A_186 = arith.constant 0 : i32
      %dma_wait3A_187 = tpu.memref_slice %arg3[%dma_wait3A_185, %dma_wait3A_186] : memref<1000000x32xf32, #tpu.memory_space<hbm>> -> memref<128x32xf32, #tpu.memory_space<hbm>>
      %dma_wait3A_188 = arith.constant 0 : i32
      %dma_wait3A_189 = arith.constant 0 : i32
      %dma_wait3A_190 = tpu.memref_slice %arg3[%dma_wait3A_188, %dma_wait3A_189] : memref<1000000x32xf32, #tpu.memory_space<hbm>> -> memref<128x32xf32, #tpu.memory_space<hbm>>
      tpu.wait_dma2 semaphore(%arg10 : memref<!tpu.dma_semaphore, #tpu.memory_space<semaphore_mem>>) src(%dma_wait3A_190 : memref<128x32xf32, #tpu.memory_space<hbm>>) dst(%arg6 : memref<128x32xf32, #tpu.memory_space<vmem>>)
      %iota3A = tpu.iota {dimensions = array<i32: 0>} : vector<16xi32>
      %jit3A = arith.constant 8 : i32
      %div3A = vector.broadcast %jit3A : i32 to vector<16xi32>
      %div3A_191 = arith.divsi %iota3A, %div3A : vector<16xi32>
      %sign3A = arith.constant 0 : i32
      %sign3A_192 = vector.broadcast %sign3A : i32 to vector<16xi32>
      %sign3A_193 = arith.cmpi sgt, %iota3A, %sign3A_192 : vector<16xi32>
      %sign3A_194 = arith.extui %sign3A_193 : vector<16xi1> to vector<16xi32>
      %sign3A_195 = arith.constant 0 : i32
      %sign3A_196 = vector.broadcast %sign3A_195 : i32 to vector<16xi32>
      %sign3A_197 = arith.cmpi slt, %iota3A, %sign3A_196 : vector<16xi32>
      %sign3A_198 = arith.extui %sign3A_197 : vector<16xi1> to vector<16xi32>
      %sign3A_199 = arith.subi %sign3A_194, %sign3A_198 : vector<16xi32>
      %sign3A_200 = arith.constant 0 : i32
      %sign3A_201 = arith.cmpi sgt, %jit3A, %sign3A_200 : i32
      %sign3A_202 = arith.extui %sign3A_201 : i1 to i32
      %sign3A_203 = arith.constant 0 : i32
      %sign3A_204 = arith.cmpi slt, %jit3A, %sign3A_203 : i32
      %sign3A_205 = arith.extui %sign3A_204 : i1 to i32
      %sign3A_206 = arith.subi %sign3A_202, %sign3A_205 : i32
      %ne3A = vector.broadcast %sign3A_206 : i32 to vector<16xi32>
      %ne3A_207 = arith.cmpi ne, %sign3A_199, %ne3A : vector<16xi32>
      %rem3A = vector.broadcast %jit3A : i32 to vector<16xi32>
      %rem3A_208 = arith.remsi %iota3A, %rem3A : vector<16xi32>
      %ne3A_209 = arith.constant 0 : i32
      %ne3A_210 = vector.broadcast %ne3A_209 : i32 to vector<16xi32>
      %ne3A_211 = arith.cmpi ne, %rem3A_208, %ne3A_210 : vector<16xi32>
      %and3A = arith.andi %ne3A_207, %ne3A_211 : vector<16xi1>
      %sub3A = arith.constant 1 : i32
      %sub3A_212 = vector.broadcast %sub3A : i32 to vector<16xi32>
      %sub3A_213 = arith.subi %div3A_191, %sub3A_212 : vector<16xi32>
      %select_n3A = arith.select %and3A, %sub3A_213, %div3A_191 : vector<16xi1>, vector<16xi32>
      %add3A_214 = arith.constant 2 : i32
      %add3A_215 = vector.broadcast %add3A_214 : i32 to vector<16xi32>
      %add3A_216 = arith.addi %select_n3A, %add3A_215 : vector<16xi32>
      %jit3A_217 = arith.constant 8 : i32
      %eq3A = arith.constant 0 : i32
      %eq3A_218 = arith.cmpi eq, %jit3A_217, %eq3A : i32
      %jit3A_219 = arith.constant 1 : i32
      %select_n3A_220 = arith.select %eq3A_218, %jit3A_219, %jit3A_217 : i32
      %rem3A_221 = vector.broadcast %select_n3A_220 : i32 to vector<16xi32>
      %rem3A_222 = arith.remsi %iota3A, %rem3A_221 : vector<16xi32>
      %ne3A_223 = arith.constant 0 : i32
      %ne3A_224 = vector.broadcast %ne3A_223 : i32 to vector<16xi32>
      %ne3A_225 = arith.cmpi ne, %rem3A_222, %ne3A_224 : vector<16xi32>
      %lt3A = arith.constant 0 : i32
      %lt3A_226 = vector.broadcast %lt3A : i32 to vector<16xi32>
      %lt3A_227 = arith.cmpi slt, %rem3A_222, %lt3A_226 : vector<16xi32>
      %lt3A_228 = arith.constant 0 : i32
      %lt3A_229 = arith.cmpi slt, %select_n3A_220, %lt3A_228 : i32
      %ne3A_230 = vector.broadcast %lt3A_229 : i1 to vector<16xi1>
      %ne3A_231 = vector.broadcast %ne3A_230 : vector<16xi1> to vector<16xi1>
      %ne3A_232 = arith.xori %lt3A_227, %ne3A_231 : vector<16xi1>
      %and3A_233 = arith.andi %ne3A_232, %ne3A_225 : vector<16xi1>
      %add3A_234 = vector.broadcast %select_n3A_220 : i32 to vector<16xi32>
      %add3A_235 = arith.addi %rem3A_222, %add3A_234 : vector<16xi32>
      %select_n3A_236 = arith.select %and3A_233, %add3A_235, %rem3A_222 : vector<16xi1>, vector<16xi32>
      %scan3A_237 = arith.constant 0 : i32
      %scan3A_238 = arith.constant 0 : i32
      %scan3A_239 = arith.constant 128 : i32
      %scan3A_240 = arith.addi %scan3A_238, %scan3A_239 : i32
      %scan3A_241 = arith.constant 8 : i32
      scf.for %scan3A_569 = %scan3A_238 to %scan3A_240 step %scan3A_241  : i32 {
        %get3A = arith.index_cast %scan3A_569 : i32 to index
        %get3A_570 = arith.constant 0 : index
        %get3A_571 = tpu.vector_load %arg6[%get3A, %get3A_570] {strides = array<i32>} : memref<128x32xf32, #tpu.memory_space<vmem>>, vector<16xf32>,
        %get3A_572 = arith.index_cast %scan3A_569 : i32 to index
        %get3A_573 = arith.constant 16 : index
        %get3A_574 = tpu.vector_load %arg6[%get3A_572, %get3A_573] {strides = array<i32>} : memref<128x32xf32, #tpu.memory_space<vmem>>, vector<16xf32>,
        %broadcast_in_dim3A = vector.broadcast %scan3A_569 : i32 to vector<16xi32>
        tpu.vector_store_idx %arg8[%select_n3A, %select_n3A_236, %broadcast_in_dim3A], %get3A_571 : memref<4x8x129xf32, #tpu.memory_space<vmem>>[vector<16xi32>, vector<16xi32>, vector<16xi32>], vector<16xf32>,
        tpu.vector_store_idx %arg8[%add3A_216, %select_n3A_236, %broadcast_in_dim3A], %get3A_574 : memref<4x8x129xf32, #tpu.memory_space<vmem>>[vector<16xi32>, vector<16xi32>, vector<16xi32>], vector<16xf32>,
        %scan3A_575 = arith.constant 1 : i32
        %scan3A_576 = arith.addi %scan3A_569, %scan3A_575 : i32
        %get3A_577 = arith.index_cast %scan3A_576 : i32 to index
        %get3A_578 = arith.constant 0 : index
        %get3A_579 = tpu.vector_load %arg6[%get3A_577, %get3A_578] {strides = array<i32>} : memref<128x32xf32, #tpu.memory_space<vmem>>, vector<16xf32>,
        %get3A_580 = arith.index_cast %scan3A_576 : i32 to index
        %get3A_581 = arith.constant 16 : index
        %get3A_582 = tpu.vector_load %arg6[%get3A_580, %get3A_581] {strides = array<i32>} : memref<128x32xf32, #tpu.memory_space<vmem>>, vector<16xf32>,
        %broadcast_in_dim3A_583 = vector.broadcast %scan3A_576 : i32 to vector<16xi32>
        tpu.vector_store_idx %arg8[%select_n3A, %select_n3A_236, %broadcast_in_dim3A_583], %get3A_579 : memref<4x8x129xf32, #tpu.memory_space<vmem>>[vector<16xi32>, vector<16xi32>, vector<16xi32>], vector<16xf32>,
        tpu.vector_store_idx %arg8[%add3A_216, %select_n3A_236, %broadcast_in_dim3A_583], %get3A_582 : memref<4x8x129xf32, #tpu.memory_space<vmem>>[vector<16xi32>, vector<16xi32>, vector<16xi32>], vector<16xf32>,
        %scan3A_584 = arith.constant 2 : i32
        %scan3A_585 = arith.addi %scan3A_569, %scan3A_584 : i32
        %get3A_586 = arith.index_cast %scan3A_585 : i32 to index
        %get3A_587 = arith.constant 0 : index
        %get3A_588 = tpu.vector_load %arg6[%get3A_586, %get3A_587] {strides = array<i32>} : memref<128x32xf32, #tpu.memory_space<vmem>>, vector<16xf32>,
        %get3A_589 = arith.index_cast %scan3A_585 : i32 to index
        %get3A_590 = arith.constant 16 : index
        %get3A_591 = tpu.vector_load %arg6[%get3A_589, %get3A_590] {strides = array<i32>} : memref<128x32xf32, #tpu.memory_space<vmem>>, vector<16xf32>,
        %broadcast_in_dim3A_592 = vector.broadcast %scan3A_585 : i32 to vector<16xi32>
        tpu.vector_store_idx %arg8[%select_n3A, %select_n3A_236, %broadcast_in_dim3A_592], %get3A_588 : memref<4x8x129xf32, #tpu.memory_space<vmem>>[vector<16xi32>, vector<16xi32>, vector<16xi32>], vector<16xf32>,
        tpu.vector_store_idx %arg8[%add3A_216, %select_n3A_236, %broadcast_in_dim3A_592], %get3A_591 : memref<4x8x129xf32, #tpu.memory_space<vmem>>[vector<16xi32>, vector<16xi32>, vector<16xi32>], vector<16xf32>,
        %scan3A_593 = arith.constant 3 : i32
        %scan3A_594 = arith.addi %scan3A_569, %scan3A_593 : i32
        %get3A_595 = arith.index_cast %scan3A_594 : i32 to index
        %get3A_596 = arith.constant 0 : index
        %get3A_597 = tpu.vector_load %arg6[%get3A_595, %get3A_596] {strides = array<i32>} : memref<128x32xf32, #tpu.memory_space<vmem>>, vector<16xf32>,
        %get3A_598 = arith.index_cast %scan3A_594 : i32 to index
        %get3A_599 = arith.constant 16 : index
        %get3A_600 = tpu.vector_load %arg6[%get3A_598, %get3A_599] {strides = array<i32>} : memref<128x32xf32, #tpu.memory_space<vmem>>, vector<16xf32>,
        %broadcast_in_dim3A_601 = vector.broadcast %scan3A_594 : i32 to vector<16xi32>
        tpu.vector_store_idx %arg8[%select_n3A, %select_n3A_236, %broadcast_in_dim3A_601], %get3A_597 : memref<4x8x129xf32, #tpu.memory_space<vmem>>[vector<16xi32>, vector<16xi32>, vector<16xi32>], vector<16xf32>,
        tpu.vector_store_idx %arg8[%add3A_216, %select_n3A_236, %broadcast_in_dim3A_601], %get3A_600 : memref<4x8x129xf32, #tpu.memory_space<vmem>>[vector<16xi32>, vector<16xi32>, vector<16xi32>], vector<16xf32>,
        %scan3A_602 = arith.constant 4 : i32
        %scan3A_603 = arith.addi %scan3A_569, %scan3A_602 : i32
        %get3A_604 = arith.index_cast %scan3A_603 : i32 to index
        %get3A_605 = arith.constant 0 : index
        %get3A_606 = tpu.vector_load %arg6[%get3A_604, %get3A_605] {strides = array<i32>} : memref<128x32xf32, #tpu.memory_space<vmem>>, vector<16xf32>,
        %get3A_607 = arith.index_cast %scan3A_603 : i32 to index
        %get3A_608 = arith.constant 16 : index
        %get3A_609 = tpu.vector_load %arg6[%get3A_607, %get3A_608] {strides = array<i32>} : memref<128x32xf32, #tpu.memory_space<vmem>>, vector<16xf32>,
        %broadcast_in_dim3A_610 = vector.broadcast %scan3A_603 : i32 to vector<16xi32>
        tpu.vector_store_idx %arg8[%select_n3A, %select_n3A_236, %broadcast_in_dim3A_610], %get3A_606 : memref<4x8x129xf32, #tpu.memory_space<vmem>>[vector<16xi32>, vector<16xi32>, vector<16xi32>], vector<16xf32>,
        tpu.vector_store_idx %arg8[%add3A_216, %select_n3A_236, %broadcast_in_dim3A_610], %get3A_609 : memref<4x8x129xf32, #tpu.memory_space<vmem>>[vector<16xi32>, vector<16xi32>, vector<16xi32>], vector<16xf32>,
        %scan3A_611 = arith.constant 5 : i32
        %scan3A_612 = arith.addi %scan3A_569, %scan3A_611 : i32
        %get3A_613 = arith.index_cast %scan3A_612 : i32 to index
        %get3A_614 = arith.constant 0 : index
        %get3A_615 = tpu.vector_load %arg6[%get3A_613, %get3A_614] {strides = array<i32>} : memref<128x32xf32, #tpu.memory_space<vmem>>, vector<16xf32>,
        %get3A_616 = arith.index_cast %scan3A_612 : i32 to index
        %get3A_617 = arith.constant 16 : index
        %get3A_618 = tpu.vector_load %arg6[%get3A_616, %get3A_617] {strides = array<i32>} : memref<128x32xf32, #tpu.memory_space<vmem>>, vector<16xf32>,
        %broadcast_in_dim3A_619 = vector.broadcast %scan3A_612 : i32 to vector<16xi32>
        tpu.vector_store_idx %arg8[%select_n3A, %select_n3A_236, %broadcast_in_dim3A_619], %get3A_615 : memref<4x8x129xf32, #tpu.memory_space<vmem>>[vector<16xi32>, vector<16xi32>, vector<16xi32>], vector<16xf32>,
        tpu.vector_store_idx %arg8[%add3A_216, %select_n3A_236, %broadcast_in_dim3A_619], %get3A_618 : memref<4x8x129xf32, #tpu.memory_space<vmem>>[vector<16xi32>, vector<16xi32>, vector<16xi32>], vector<16xf32>,
        %scan3A_620 = arith.constant 6 : i32
        %scan3A_621 = arith.addi %scan3A_569, %scan3A_620 : i32
        %get3A_622 = arith.index_cast %scan3A_621 : i32 to index
        %get3A_623 = arith.constant 0 : index
        %get3A_624 = tpu.vector_load %arg6[%get3A_622, %get3A_623] {strides = array<i32>} : memref<128x32xf32, #tpu.memory_space<vmem>>, vector<16xf32>,
        %get3A_625 = arith.index_cast %scan3A_621 : i32 to index
        %get3A_626 = arith.constant 16 : index
        %get3A_627 = tpu.vector_load %arg6[%get3A_625, %get3A_626] {strides = array<i32>} : memref<128x32xf32, #tpu.memory_space<vmem>>, vector<16xf32>,
        %broadcast_in_dim3A_628 = vector.broadcast %scan3A_621 : i32 to vector<16xi32>
        tpu.vector_store_idx %arg8[%select_n3A, %select_n3A_236, %broadcast_in_dim3A_628], %get3A_624 : memref<4x8x129xf32, #tpu.memory_space<vmem>>[vector<16xi32>, vector<16xi32>, vector<16xi32>], vector<16xf32>,
        tpu.vector_store_idx %arg8[%add3A_216, %select_n3A_236, %broadcast_in_dim3A_628], %get3A_627 : memref<4x8x129xf32, #tpu.memory_space<vmem>>[vector<16xi32>, vector<16xi32>, vector<16xi32>], vector<16xf32>,
        %scan3A_629 = arith.constant 7 : i32
        %scan3A_630 = arith.addi %scan3A_569, %scan3A_629 : i32
        %get3A_631 = arith.index_cast %scan3A_630 : i32 to index
        %get3A_632 = arith.constant 0 : index
        %get3A_633 = tpu.vector_load %arg6[%get3A_631, %get3A_632] {strides = array<i32>} : memref<128x32xf32, #tpu.memory_space<vmem>>, vector<16xf32>,
        %get3A_634 = arith.index_cast %scan3A_630 : i32 to index
        %get3A_635 = arith.constant 16 : index
        %get3A_636 = tpu.vector_load %arg6[%get3A_634, %get3A_635] {strides = array<i32>} : memref<128x32xf32, #tpu.memory_space<vmem>>, vector<16xf32>,
        %broadcast_in_dim3A_637 = vector.broadcast %scan3A_630 : i32 to vector<16xi32>
        tpu.vector_store_idx %arg8[%select_n3A, %select_n3A_236, %broadcast_in_dim3A_637], %get3A_633 : memref<4x8x129xf32, #tpu.memory_space<vmem>>[vector<16xi32>, vector<16xi32>, vector<16xi32>], vector<16xf32>,
        tpu.vector_store_idx %arg8[%add3A_216, %select_n3A_236, %broadcast_in_dim3A_637], %get3A_636 : memref<4x8x129xf32, #tpu.memory_space<vmem>>[vector<16xi32>, vector<16xi32>, vector<16xi32>], vector<16xf32>,
      }
      %scan3A_242 = arith.constant 128 : i32
      %add3A_243 = arith.constant 2 : i32
      %add3A_244 = arith.addi %mul3A_182, %add3A_243 : i32
      %add3A_245 = arith.constant 0 : i32
      %add3A_246 = arith.addi %add3A_244, %add3A_245 : i32
      %lt3A_247 = arith.constant 200 : i32
      %lt3A_248 = arith.cmpi slt, %add3A_246, %lt3A_247 : i32
      %convert_element_type3A_249 = arith.extui %lt3A_248 : i1 to i32
      %cond3A_250 = arith.constant 0 : i32
      %cond3A_251 = arith.cmpi ne, %convert_element_type3A_249, %cond3A_250 : i32
      scf.if %cond3A_251 {
        %add3A_569 = arith.constant 2 : i32
        %add3A_570 = arith.addi %mul3A_182, %add3A_569 : i32
        %add3A_571 = arith.constant 0 : i32
        %add3A_572 = arith.addi %add3A_570, %add3A_571 : i32
        %jit3A_573 = arith.constant 4 : i32
        %div3A_574 = arith.divsi %add3A_572, %jit3A_573 : i32
        %sign3A_575 = arith.constant 0 : i32
        %sign3A_576 = arith.cmpi sgt, %add3A_572, %sign3A_575 : i32
        %sign3A_577 = arith.extui %sign3A_576 : i1 to i32
        %sign3A_578 = arith.constant 0 : i32
        %sign3A_579 = arith.cmpi slt, %add3A_572, %sign3A_578 : i32
        %sign3A_580 = arith.extui %sign3A_579 : i1 to i32
        %sign3A_581 = arith.subi %sign3A_577, %sign3A_580 : i32
        %sign3A_582 = arith.constant 0 : i32
        %sign3A_583 = arith.cmpi sgt, %jit3A_573, %sign3A_582 : i32
        %sign3A_584 = arith.extui %sign3A_583 : i1 to i32
        %sign3A_585 = arith.constant 0 : i32
        %sign3A_586 = arith.cmpi slt, %jit3A_573, %sign3A_585 : i32
        %sign3A_587 = arith.extui %sign3A_586 : i1 to i32
        %sign3A_588 = arith.subi %sign3A_584, %sign3A_587 : i32
        %ne3A_589 = arith.cmpi ne, %sign3A_581, %sign3A_588 : i32
        %rem3A_590 = arith.remsi %add3A_572, %jit3A_573 : i32
        %ne3A_591 = arith.constant 0 : i32
        %ne3A_592 = arith.cmpi ne, %rem3A_590, %ne3A_591 : i32
        %and3A_593 = arith.andi %ne3A_589, %ne3A_592 : i1
        %sub3A_594 = arith.constant 1 : i32
        %sub3A_595 = arith.subi %div3A_574, %sub3A_594 : i32
        %select_n3A_596 = arith.select %and3A_593, %sub3A_595, %div3A_574 : i32
        %jit3A_597 = arith.constant 4 : i32
        %eq3A_598 = arith.constant 0 : i32
        %eq3A_599 = arith.cmpi eq, %jit3A_597, %eq3A_598 : i32
        %jit3A_600 = arith.constant 1 : i32
        %select_n3A_601 = arith.select %eq3A_599, %jit3A_600, %jit3A_597 : i32
        %rem3A_602 = arith.remsi %add3A_572, %select_n3A_601 : i32
        %ne3A_603 = arith.constant 0 : i32
        %ne3A_604 = arith.cmpi ne, %rem3A_602, %ne3A_603 : i32
        %lt3A_605 = arith.constant 0 : i32
        %lt3A_606 = arith.cmpi slt, %rem3A_602, %lt3A_605 : i32
        %lt3A_607 = arith.constant 0 : i32
        %lt3A_608 = arith.cmpi slt, %select_n3A_601, %lt3A_607 : i32
        %ne3A_609 = arith.xori %lt3A_606, %lt3A_608 : i1
        %and3A_610 = arith.andi %ne3A_609, %ne3A_604 : i1
        %add3A_611 = arith.addi %rem3A_602, %select_n3A_601 : i32
        %select_n3A_612 = arith.select %and3A_610, %add3A_611, %rem3A_602 : i32
        %mul3A_613 = arith.constant 128 : i32
        %mul3A_614 = arith.muli %mul3A_613, %select_n3A_612 : i32
        %dma_start3A_615 = tpu.memref_slice %arg5[%select_n3A_596, %mul3A_614] : memref<50x512xi32, #tpu.memory_space<vmem>> -> memref<1x128xi32, #tpu.memory_space<vmem>>
        %dma_start3A_616 = tpu.memref_squeeze %dma_start3A_615 : memref<1x128xi32, #tpu.memory_space<vmem>> -> memref<128xi32, #tpu.memory_space<vmem>>
        %dma_start3A_617 = arith.constant 0 : i32
        %dma_start3A_618 = arith.constant 0 : i32
        %dma_start3A_619 = tpu.memref_slice %arg3[%dma_start3A_617, %dma_start3A_618] : memref<1000000x32xf32, #tpu.memory_space<hbm>> -> memref<1000000x32xf32, #tpu.memory_space<hbm>>
        tpu.enqueue_indirect_dma source(%dma_start3A_619 : memref<1000000x32xf32, #tpu.memory_space<hbm>>) target(%arg6 : memref<128x32xf32, #tpu.memory_space<vmem>>) offsets(%dma_start3A_616 : memref<128xi32, #tpu.memory_space<vmem>>) semaphore(%arg10 : memref<!tpu.dma_semaphore, #tpu.memory_space<semaphore_mem>>)
      } else {
      }
      %add3A_252 = arith.constant 0 : i32
      %add3A_253 = arith.addi %mul3A_182, %add3A_252 : i32
      %jit3A_254 = arith.constant 4 : i32
      %div3A_255 = arith.divsi %add3A_253, %jit3A_254 : i32
      %sign3A_256 = arith.constant 0 : i32
      %sign3A_257 = arith.cmpi sgt, %add3A_253, %sign3A_256 : i32
      %sign3A_258 = arith.extui %sign3A_257 : i1 to i32
      %sign3A_259 = arith.constant 0 : i32
      %sign3A_260 = arith.cmpi slt, %add3A_253, %sign3A_259 : i32
      %sign3A_261 = arith.extui %sign3A_260 : i1 to i32
      %sign3A_262 = arith.subi %sign3A_258, %sign3A_261 : i32
      %sign3A_263 = arith.constant 0 : i32
      %sign3A_264 = arith.cmpi sgt, %jit3A_254, %sign3A_263 : i32
      %sign3A_265 = arith.extui %sign3A_264 : i1 to i32
      %sign3A_266 = arith.constant 0 : i32
      %sign3A_267 = arith.cmpi slt, %jit3A_254, %sign3A_266 : i32
      %sign3A_268 = arith.extui %sign3A_267 : i1 to i32
      %sign3A_269 = arith.subi %sign3A_265, %sign3A_268 : i32
      %ne3A_270 = arith.cmpi ne, %sign3A_262, %sign3A_269 : i32
      %rem3A_271 = arith.remsi %add3A_253, %jit3A_254 : i32
      %ne3A_272 = arith.constant 0 : i32
      %ne3A_273 = arith.cmpi ne, %rem3A_271, %ne3A_272 : i32
      %and3A_274 = arith.andi %ne3A_270, %ne3A_273 : i1
      %sub3A_275 = arith.constant 1 : i32
      %sub3A_276 = arith.subi %div3A_255, %sub3A_275 : i32
      %select_n3A_277 = arith.select %and3A_274, %sub3A_276, %div3A_255 : i32
      %mul3A_278 = arith.constant 4 : i32
      %mul3A_279 = arith.muli %mul3A_278, %add3A : i32
      %jit3A_280 = arith.constant 4 : i32
      %eq3A_281 = arith.constant 0 : i32
      %eq3A_282 = arith.cmpi eq, %jit3A_280, %eq3A_281 : i32
      %jit3A_283 = arith.constant 1 : i32
      %select_n3A_284 = arith.select %eq3A_282, %jit3A_283, %jit3A_280 : i32
      %rem3A_285 = arith.remsi %add3A_253, %select_n3A_284 : i32
      %ne3A_286 = arith.constant 0 : i32
      %ne3A_287 = arith.cmpi ne, %rem3A_285, %ne3A_286 : i32
      %lt3A_288 = arith.constant 0 : i32
      %lt3A_289 = arith.cmpi slt, %rem3A_285, %lt3A_288 : i32
      %lt3A_290 = arith.constant 0 : i32
      %lt3A_291 = arith.cmpi slt, %select_n3A_284, %lt3A_290 : i32
      %ne3A_292 = arith.xori %lt3A_289, %lt3A_291 : i1
      %and3A_293 = arith.andi %ne3A_292, %ne3A_287 : i1
      %add3A_294 = arith.addi %rem3A_285, %select_n3A_284 : i32
      %select_n3A_295 = arith.select %and3A_293, %add3A_294, %rem3A_285 : i32
      %add3A_296 = arith.addi %mul3A_279, %select_n3A_295 : i32
      %dma_start3A_297 = arith.constant 0 : i32
      %dma_start3A_298 = arith.constant 0 : i32
      %dma_start3A_299 = arith.constant 0 : i32
      %dma_start3A_300 = arith.constant 0 : i32
      %dma_start3A_301 = tpu.memref_slice %arg8[%dma_start3A_297, %dma_start3A_299, %dma_start3A_300] : memref<4x8x129xf32, #tpu.memory_space<vmem>> -> memref<1x8x128xf32, #tpu.memory_space<vmem>>
      %dma_start3A_302 = tpu.memref_squeeze %dma_start3A_301 : memref<1x8x128xf32, #tpu.memory_space<vmem>> -> memref<8x128xf32, #tpu.memory_space<vmem>>
      %dma_start3A_303 = arith.constant 0 : i32
      %dma_start3A_304 = arith.constant 0 : i32
      %dma_start3A_305 = tpu.memref_slice %arg4[%select_n3A_277, %dma_start3A_298, %add3A_296, %dma_start3A_303, %dma_start3A_304] : memref<50x4x128x8x128xf32, #tpu.memory_space<hbm>> -> memref<1x1x1x8x128xf32, #tpu.memory_space<hbm>>
      %dma_start3A_306 = tpu.memref_squeeze %dma_start3A_305 : memref<1x1x1x8x128xf32, #tpu.memory_space<hbm>> -> memref<8x128xf32, #tpu.memory_space<hbm>>
      %dma_start3A_307 = arith.constant 0 : i32
      %dma_start3A_308 = arith.constant 0 : i32
      %dma_start3A_309 = tpu.memref_slice %arg4[%select_n3A_277, %dma_start3A_298, %add3A_296, %dma_start3A_307, %dma_start3A_308] : memref<50x4x128x8x128xf32, #tpu.memory_space<hbm>> -> memref<1x1x1x8x128xf32, #tpu.memory_space<hbm>>
      %dma_start3A_310 = tpu.memref_squeeze %dma_start3A_309 : memref<1x1x1x8x128xf32, #tpu.memory_space<hbm>> -> memref<8x128xf32, #tpu.memory_space<hbm>>
      %dma_start3A_311 = arith.constant 0 : i32
      %dma_start3A_312 = arith.constant 0 : i32
      %dma_start3A_313 = tpu.memref_slice %arg8[%dma_start3A_297, %dma_start3A_311, %dma_start3A_312] : memref<4x8x129xf32, #tpu.memory_space<vmem>> -> memref<1x8x128xf32, #tpu.memory_space<vmem>>
      %dma_start3A_314 = tpu.memref_squeeze %dma_start3A_313 : memref<1x8x128xf32, #tpu.memory_space<vmem>> -> memref<8x128xf32, #tpu.memory_space<vmem>>
      tpu.enqueue_dma source(%dma_start3A_314 : memref<8x128xf32, #tpu.memory_space<vmem>>) target(%dma_start3A_310 : memref<8x128xf32, #tpu.memory_space<hbm>>) target_semaphore(%arg12 : memref<!tpu.dma_semaphore, #tpu.memory_space<semaphore_mem>>)
      %dma_start3A_315 = arith.constant 1 : i32
      %dma_start3A_316 = arith.constant 1 : i32
      %dma_start3A_317 = arith.constant 0 : i32
      %dma_start3A_318 = arith.constant 0 : i32
      %dma_start3A_319 = tpu.memref_slice %arg8[%dma_start3A_315, %dma_start3A_317, %dma_start3A_318] : memref<4x8x129xf32, #tpu.memory_space<vmem>> -> memref<1x8x128xf32, #tpu.memory_space<vmem>>
      %dma_start3A_320 = tpu.memref_squeeze %dma_start3A_319 : memref<1x8x128xf32, #tpu.memory_space<vmem>> -> memref<8x128xf32, #tpu.memory_space<vmem>>
      %dma_start3A_321 = arith.constant 0 : i32
      %dma_start3A_322 = arith.constant 0 : i32
      %dma_start3A_323 = tpu.memref_slice %arg4[%select_n3A_277, %dma_start3A_316, %add3A_296, %dma_start3A_321, %dma_start3A_322] : memref<50x4x128x8x128xf32, #tpu.memory_space<hbm>> -> memref<1x1x1x8x128xf32, #tpu.memory_space<hbm>>
      %dma_start3A_324 = tpu.memref_squeeze %dma_start3A_323 : memref<1x1x1x8x128xf32, #tpu.memory_space<hbm>> -> memref<8x128xf32, #tpu.memory_space<hbm>>
      %dma_start3A_325 = arith.constant 0 : i32
      %dma_start3A_326 = arith.constant 0 : i32
      %dma_start3A_327 = tpu.memref_slice %arg4[%select_n3A_277, %dma_start3A_316, %add3A_296, %dma_start3A_325, %dma_start3A_326] : memref<50x4x128x8x128xf32, #tpu.memory_space<hbm>> -> memref<1x1x1x8x128xf32, #tpu.memory_space<hbm>>
      %dma_start3A_328 = tpu.memref_squeeze %dma_start3A_327 : memref<1x1x1x8x128xf32, #tpu.memory_space<hbm>> -> memref<8x128xf32, #tpu.memory_space<hbm>>
      %dma_start3A_329 = arith.constant 0 : i32
      %dma_start3A_330 = arith.constant 0 : i32
      %dma_start3A_331 = tpu.memref_slice %arg8[%dma_start3A_315, %dma_start3A_329, %dma_start3A_330] : memref<4x8x129xf32, #tpu.memory_space<vmem>> -> memref<1x8x128xf32, #tpu.memory_space<vmem>>
      %dma_start3A_332 = tpu.memref_squeeze %dma_start3A_331 : memref<1x8x128xf32, #tpu.memory_space<vmem>> -> memref<8x128xf32, #tpu.memory_space<vmem>>
      tpu.enqueue_dma source(%dma_start3A_332 : memref<8x128xf32, #tpu.memory_space<vmem>>) target(%dma_start3A_328 : memref<8x128xf32, #tpu.memory_space<hbm>>) target_semaphore(%arg12 : memref<!tpu.dma_semaphore, #tpu.memory_space<semaphore_mem>>)
      %dma_start3A_333 = arith.constant 2 : i32
      %dma_start3A_334 = arith.constant 2 : i32
      %dma_start3A_335 = arith.constant 0 : i32
      %dma_start3A_336 = arith.constant 0 : i32
      %dma_start3A_337 = tpu.memref_slice %arg8[%dma_start3A_333, %dma_start3A_335, %dma_start3A_336] : memref<4x8x129xf32, #tpu.memory_space<vmem>> -> memref<1x8x128xf32, #tpu.memory_space<vmem>>
      %dma_start3A_338 = tpu.memref_squeeze %dma_start3A_337 : memref<1x8x128xf32, #tpu.memory_space<vmem>> -> memref<8x128xf32, #tpu.memory_space<vmem>>
      %dma_start3A_339 = arith.constant 0 : i32
      %dma_start3A_340 = arith.constant 0 : i32
      %dma_start3A_341 = tpu.memref_slice %arg4[%select_n3A_277, %dma_start3A_334, %add3A_296, %dma_start3A_339, %dma_start3A_340] : memref<50x4x128x8x128xf32, #tpu.memory_space<hbm>> -> memref<1x1x1x8x128xf32, #tpu.memory_space<hbm>>
      %dma_start3A_342 = tpu.memref_squeeze %dma_start3A_341 : memref<1x1x1x8x128xf32, #tpu.memory_space<hbm>> -> memref<8x128xf32, #tpu.memory_space<hbm>>
      %dma_start3A_343 = arith.constant 0 : i32
      %dma_start3A_344 = arith.constant 0 : i32
      %dma_start3A_345 = tpu.memref_slice %arg4[%select_n3A_277, %dma_start3A_334, %add3A_296, %dma_start3A_343, %dma_start3A_344] : memref<50x4x128x8x128xf32, #tpu.memory_space<hbm>> -> memref<1x1x1x8x128xf32, #tpu.memory_space<hbm>>
      %dma_start3A_346 = tpu.memref_squeeze %dma_start3A_345 : memref<1x1x1x8x128xf32, #tpu.memory_space<hbm>> -> memref<8x128xf32, #tpu.memory_space<hbm>>
      %dma_start3A_347 = arith.constant 0 : i32
      %dma_start3A_348 = arith.constant 0 : i32
      %dma_start3A_349 = tpu.memref_slice %arg8[%dma_start3A_333, %dma_start3A_347, %dma_start3A_348] : memref<4x8x129xf32, #tpu.memory_space<vmem>> -> memref<1x8x128xf32, #tpu.memory_space<vmem>>
      %dma_start3A_350 = tpu.memref_squeeze %dma_start3A_349 : memref<1x8x128xf32, #tpu.memory_space<vmem>> -> memref<8x128xf32, #tpu.memory_space<vmem>>
      tpu.enqueue_dma source(%dma_start3A_350 : memref<8x128xf32, #tpu.memory_space<vmem>>) target(%dma_start3A_346 : memref<8x128xf32, #tpu.memory_space<hbm>>) target_semaphore(%arg12 : memref<!tpu.dma_semaphore, #tpu.memory_space<semaphore_mem>>)
      %dma_start3A_351 = arith.constant 3 : i32
      %dma_start3A_352 = arith.constant 3 : i32
      %dma_start3A_353 = arith.constant 0 : i32
      %dma_start3A_354 = arith.constant 0 : i32
      %dma_start3A_355 = tpu.memref_slice %arg8[%dma_start3A_351, %dma_start3A_353, %dma_start3A_354] : memref<4x8x129xf32, #tpu.memory_space<vmem>> -> memref<1x8x128xf32, #tpu.memory_space<vmem>>
      %dma_start3A_356 = tpu.memref_squeeze %dma_start3A_355 : memref<1x8x128xf32, #tpu.memory_space<vmem>> -> memref<8x128xf32, #tpu.memory_space<vmem>>
      %dma_start3A_357 = arith.constant 0 : i32
      %dma_start3A_358 = arith.constant 0 : i32
      %dma_start3A_359 = tpu.memref_slice %arg4[%select_n3A_277, %dma_start3A_352, %add3A_296, %dma_start3A_357, %dma_start3A_358] : memref<50x4x128x8x128xf32, #tpu.memory_space<hbm>> -> memref<1x1x1x8x128xf32, #tpu.memory_space<hbm>>
      %dma_start3A_360 = tpu.memref_squeeze %dma_start3A_359 : memref<1x1x1x8x128xf32, #tpu.memory_space<hbm>> -> memref<8x128xf32, #tpu.memory_space<hbm>>
      %dma_start3A_361 = arith.constant 0 : i32
      %dma_start3A_362 = arith.constant 0 : i32
      %dma_start3A_363 = tpu.memref_slice %arg4[%select_n3A_277, %dma_start3A_352, %add3A_296, %dma_start3A_361, %dma_start3A_362] : memref<50x4x128x8x128xf32, #tpu.memory_space<hbm>> -> memref<1x1x1x8x128xf32, #tpu.memory_space<hbm>>
      %dma_start3A_364 = tpu.memref_squeeze %dma_start3A_363 : memref<1x1x1x8x128xf32, #tpu.memory_space<hbm>> -> memref<8x128xf32, #tpu.memory_space<hbm>>
      %dma_start3A_365 = arith.constant 0 : i32
      %dma_start3A_366 = arith.constant 0 : i32
      %dma_start3A_367 = tpu.memref_slice %arg8[%dma_start3A_351, %dma_start3A_365, %dma_start3A_366] : memref<4x8x129xf32, #tpu.memory_space<vmem>> -> memref<1x8x128xf32, #tpu.memory_space<vmem>>
      %dma_start3A_368 = tpu.memref_squeeze %dma_start3A_367 : memref<1x8x128xf32, #tpu.memory_space<vmem>> -> memref<8x128xf32, #tpu.memory_space<vmem>>
      tpu.enqueue_dma source(%dma_start3A_368 : memref<8x128xf32, #tpu.memory_space<vmem>>) target(%dma_start3A_364 : memref<8x128xf32, #tpu.memory_space<hbm>>) target_semaphore(%arg12 : memref<!tpu.dma_semaphore, #tpu.memory_space<semaphore_mem>>)
      %ge3A_369 = arith.constant 2 : i32
      %ge3A_370 = arith.cmpi sge, %mul3A_182, %ge3A_369 : i32
      %convert_element_type3A_371 = arith.extui %ge3A_370 : i1 to i32
      %cond3A_372 = arith.constant 0 : i32
      %cond3A_373 = arith.cmpi ne, %convert_element_type3A_371, %cond3A_372 : i32
      scf.if %cond3A_373 {
        %dma_wait3A_569 = arith.constant 0 : i32
        %dma_wait3A_570 = arith.constant 0 : i32
        %dma_wait3A_571 = arith.constant 0 : i32
        %dma_wait3A_572 = arith.constant 0 : i32
        %dma_wait3A_573 = arith.constant 0 : i32
        %dma_wait3A_574 = arith.constant 0 : i32
        %dma_wait3A_575 = tpu.memref_slice %arg9[%dma_wait3A_569, %dma_wait3A_573, %dma_wait3A_574] : memref<4x8x129xf32, #tpu.memory_space<vmem>> -> memref<1x8x128xf32, #tpu.memory_space<vmem>>
        %dma_wait3A_576 = tpu.memref_squeeze %dma_wait3A_575 : memref<1x8x128xf32, #tpu.memory_space<vmem>> -> memref<8x128xf32, #tpu.memory_space<vmem>>
        %dma_wait3A_577 = arith.constant 0 : i32
        %dma_wait3A_578 = arith.constant 0 : i32
        %dma_wait3A_579 = tpu.memref_slice %arg4[%dma_wait3A_570, %dma_wait3A_571, %dma_wait3A_572, %dma_wait3A_577, %dma_wait3A_578] : memref<50x4x128x8x128xf32, #tpu.memory_space<hbm>> -> memref<1x1x1x8x128xf32, #tpu.memory_space<hbm>>
        %dma_wait3A_580 = tpu.memref_squeeze %dma_wait3A_579 : memref<1x1x1x8x128xf32, #tpu.memory_space<hbm>> -> memref<8x128xf32, #tpu.memory_space<hbm>>
        %dma_wait3A_581 = arith.constant 0 : i32
        %dma_wait3A_582 = arith.constant 0 : i32
        %dma_wait3A_583 = tpu.memref_slice %arg4[%dma_wait3A_570, %dma_wait3A_571, %dma_wait3A_572, %dma_wait3A_581, %dma_wait3A_582] : memref<50x4x128x8x128xf32, #tpu.memory_space<hbm>> -> memref<1x1x1x8x128xf32, #tpu.memory_space<hbm>>
        %dma_wait3A_584 = tpu.memref_squeeze %dma_wait3A_583 : memref<1x1x1x8x128xf32, #tpu.memory_space<hbm>> -> memref<8x128xf32, #tpu.memory_space<hbm>>
        %dma_wait3A_585 = arith.constant 0 : i32
        %dma_wait3A_586 = arith.constant 0 : i32
        %dma_wait3A_587 = tpu.memref_slice %arg9[%dma_wait3A_569, %dma_wait3A_585, %dma_wait3A_586] : memref<4x8x129xf32, #tpu.memory_space<vmem>> -> memref<1x8x128xf32, #tpu.memory_space<vmem>>
        %dma_wait3A_588 = tpu.memref_squeeze %dma_wait3A_587 : memref<1x8x128xf32, #tpu.memory_space<vmem>> -> memref<8x128xf32, #tpu.memory_space<vmem>>
        tpu.wait_dma2 semaphore(%arg13 : memref<!tpu.dma_semaphore, #tpu.memory_space<semaphore_mem>>) src(%dma_wait3A_588 : memref<8x128xf32, #tpu.memory_space<vmem>>) dst(%dma_wait3A_584 : memref<8x128xf32, #tpu.memory_space<hbm>>)
        %dma_wait3A_589 = arith.constant 1 : i32
        %dma_wait3A_590 = arith.constant 0 : i32
        %dma_wait3A_591 = arith.constant 1 : i32
        %dma_wait3A_592 = arith.constant 0 : i32
        %dma_wait3A_593 = arith.constant 0 : i32
        %dma_wait3A_594 = arith.constant 0 : i32
        %dma_wait3A_595 = tpu.memref_slice %arg9[%dma_wait3A_589, %dma_wait3A_593, %dma_wait3A_594] : memref<4x8x129xf32, #tpu.memory_space<vmem>> -> memref<1x8x128xf32, #tpu.memory_space<vmem>>
        %dma_wait3A_596 = tpu.memref_squeeze %dma_wait3A_595 : memref<1x8x128xf32, #tpu.memory_space<vmem>> -> memref<8x128xf32, #tpu.memory_space<vmem>>
        %dma_wait3A_597 = arith.constant 0 : i32
        %dma_wait3A_598 = arith.constant 0 : i32
        %dma_wait3A_599 = tpu.memref_slice %arg4[%dma_wait3A_590, %dma_wait3A_591, %dma_wait3A_592, %dma_wait3A_597, %dma_wait3A_598] : memref<50x4x128x8x128xf32, #tpu.memory_space<hbm>> -> memref<1x1x1x8x128xf32, #tpu.memory_space<hbm>>
        %dma_wait3A_600 = tpu.memref_squeeze %dma_wait3A_599 : memref<1x1x1x8x128xf32, #tpu.memory_space<hbm>> -> memref<8x128xf32, #tpu.memory_space<hbm>>
        %dma_wait3A_601 = arith.constant 0 : i32
        %dma_wait3A_602 = arith.constant 0 : i32
        %dma_wait3A_603 = tpu.memref_slice %arg4[%dma_wait3A_590, %dma_wait3A_591, %dma_wait3A_592, %dma_wait3A_601, %dma_wait3A_602] : memref<50x4x128x8x128xf32, #tpu.memory_space<hbm>> -> memref<1x1x1x8x128xf32, #tpu.memory_space<hbm>>
        %dma_wait3A_604 = tpu.memref_squeeze %dma_wait3A_603 : memref<1x1x1x8x128xf32, #tpu.memory_space<hbm>> -> memref<8x128xf32, #tpu.memory_space<hbm>>
        %dma_wait3A_605 = arith.constant 0 : i32
        %dma_wait3A_606 = arith.constant 0 : i32
        %dma_wait3A_607 = tpu.memref_slice %arg9[%dma_wait3A_589, %dma_wait3A_605, %dma_wait3A_606] : memref<4x8x129xf32, #tpu.memory_space<vmem>> -> memref<1x8x128xf32, #tpu.memory_space<vmem>>
        %dma_wait3A_608 = tpu.memref_squeeze %dma_wait3A_607 : memref<1x8x128xf32, #tpu.memory_space<vmem>> -> memref<8x128xf32, #tpu.memory_space<vmem>>
        tpu.wait_dma2 semaphore(%arg13 : memref<!tpu.dma_semaphore, #tpu.memory_space<semaphore_mem>>) src(%dma_wait3A_608 : memref<8x128xf32, #tpu.memory_space<vmem>>) dst(%dma_wait3A_604 : memref<8x128xf32, #tpu.memory_space<hbm>>)
        %dma_wait3A_609 = arith.constant 2 : i32
        %dma_wait3A_610 = arith.constant 0 : i32
        %dma_wait3A_611 = arith.constant 2 : i32
        %dma_wait3A_612 = arith.constant 0 : i32
        %dma_wait3A_613 = arith.constant 0 : i32
        %dma_wait3A_614 = arith.constant 0 : i32
        %dma_wait3A_615 = tpu.memref_slice %arg9[%dma_wait3A_609, %dma_wait3A_613, %dma_wait3A_614] : memref<4x8x129xf32, #tpu.memory_space<vmem>> -> memref<1x8x128xf32, #tpu.memory_space<vmem>>
        %dma_wait3A_616 = tpu.memref_squeeze %dma_wait3A_615 : memref<1x8x128xf32, #tpu.memory_space<vmem>> -> memref<8x128xf32, #tpu.memory_space<vmem>>
        %dma_wait3A_617 = arith.constant 0 : i32
        %dma_wait3A_618 = arith.constant 0 : i32
        %dma_wait3A_619 = tpu.memref_slice %arg4[%dma_wait3A_610, %dma_wait3A_611, %dma_wait3A_612, %dma_wait3A_617, %dma_wait3A_618] : memref<50x4x128x8x128xf32, #tpu.memory_space<hbm>> -> memref<1x1x1x8x128xf32, #tpu.memory_space<hbm>>
        %dma_wait3A_620 = tpu.memref_squeeze %dma_wait3A_619 : memref<1x1x1x8x128xf32, #tpu.memory_space<hbm>> -> memref<8x128xf32, #tpu.memory_space<hbm>>
        %dma_wait3A_621 = arith.constant 0 : i32
        %dma_wait3A_622 = arith.constant 0 : i32
        %dma_wait3A_623 = tpu.memref_slice %arg4[%dma_wait3A_610, %dma_wait3A_611, %dma_wait3A_612, %dma_wait3A_621, %dma_wait3A_622] : memref<50x4x128x8x128xf32, #tpu.memory_space<hbm>> -> memref<1x1x1x8x128xf32, #tpu.memory_space<hbm>>
        %dma_wait3A_624 = tpu.memref_squeeze %dma_wait3A_623 : memref<1x1x1x8x128xf32, #tpu.memory_space<hbm>> -> memref<8x128xf32, #tpu.memory_space<hbm>>
        %dma_wait3A_625 = arith.constant 0 : i32
        %dma_wait3A_626 = arith.constant 0 : i32
        %dma_wait3A_627 = tpu.memref_slice %arg9[%dma_wait3A_609, %dma_wait3A_625, %dma_wait3A_626] : memref<4x8x129xf32, #tpu.memory_space<vmem>> -> memref<1x8x128xf32, #tpu.memory_space<vmem>>
        %dma_wait3A_628 = tpu.memref_squeeze %dma_wait3A_627 : memref<1x8x128xf32, #tpu.memory_space<vmem>> -> memref<8x128xf32, #tpu.memory_space<vmem>>
        tpu.wait_dma2 semaphore(%arg13 : memref<!tpu.dma_semaphore, #tpu.memory_space<semaphore_mem>>) src(%dma_wait3A_628 : memref<8x128xf32, #tpu.memory_space<vmem>>) dst(%dma_wait3A_624 : memref<8x128xf32, #tpu.memory_space<hbm>>)
        %dma_wait3A_629 = arith.constant 3 : i32
        %dma_wait3A_630 = arith.constant 0 : i32
        %dma_wait3A_631 = arith.constant 3 : i32
        %dma_wait3A_632 = arith.constant 0 : i32
        %dma_wait3A_633 = arith.constant 0 : i32
        %dma_wait3A_634 = arith.constant 0 : i32
        %dma_wait3A_635 = tpu.memref_slice %arg9[%dma_wait3A_629, %dma_wait3A_633, %dma_wait3A_634] : memref<4x8x129xf32, #tpu.memory_space<vmem>> -> memref<1x8x128xf32, #tpu.memory_space<vmem>>
        %dma_wait3A_636 = tpu.memref_squeeze %dma_wait3A_635 : memref<1x8x128xf32, #tpu.memory_space<vmem>> -> memref<8x128xf32, #tpu.memory_space<vmem>>
        %dma_wait3A_637 = arith.constant 0 : i32
        %dma_wait3A_638 = arith.constant 0 : i32
        %dma_wait3A_639 = tpu.memref_slice %arg4[%dma_wait3A_630, %dma_wait3A_631, %dma_wait3A_632, %dma_wait3A_637, %dma_wait3A_638] : memref<50x4x128x8x128xf32, #tpu.memory_space<hbm>> -> memref<1x1x1x8x128xf32, #tpu.memory_space<hbm>>
        %dma_wait3A_640 = tpu.memref_squeeze %dma_wait3A_639 : memref<1x1x1x8x128xf32, #tpu.memory_space<hbm>> -> memref<8x128xf32, #tpu.memory_space<hbm>>
        %dma_wait3A_641 = arith.constant 0 : i32
        %dma_wait3A_642 = arith.constant 0 : i32
        %dma_wait3A_643 = tpu.memref_slice %arg4[%dma_wait3A_630, %dma_wait3A_631, %dma_wait3A_632, %dma_wait3A_641, %dma_wait3A_642] : memref<50x4x128x8x128xf32, #tpu.memory_space<hbm>> -> memref<1x1x1x8x128xf32, #tpu.memory_space<hbm>>
        %dma_wait3A_644 = tpu.memref_squeeze %dma_wait3A_643 : memref<1x1x1x8x128xf32, #tpu.memory_space<hbm>> -> memref<8x128xf32, #tpu.memory_space<hbm>>
        %dma_wait3A_645 = arith.constant 0 : i32
        %dma_wait3A_646 = arith.constant 0 : i32
        %dma_wait3A_647 = tpu.memref_slice %arg9[%dma_wait3A_629, %dma_wait3A_645, %dma_wait3A_646] : memref<4x8x129xf32, #tpu.memory_space<vmem>> -> memref<1x8x128xf32, #tpu.memory_space<vmem>>
        %dma_wait3A_648 = tpu.memref_squeeze %dma_wait3A_647 : memref<1x8x128xf32, #tpu.memory_space<vmem>> -> memref<8x128xf32, #tpu.memory_space<vmem>>
        tpu.wait_dma2 semaphore(%arg13 : memref<!tpu.dma_semaphore, #tpu.memory_space<semaphore_mem>>) src(%dma_wait3A_648 : memref<8x128xf32, #tpu.memory_space<vmem>>) dst(%dma_wait3A_644 : memref<8x128xf32, #tpu.memory_space<hbm>>)
      } else {
      }
      %dma_wait3A_374 = arith.constant 0 : i32
      %dma_wait3A_375 = arith.constant 0 : i32
      %dma_wait3A_376 = tpu.memref_slice %arg3[%dma_wait3A_374, %dma_wait3A_375] : memref<1000000x32xf32, #tpu.memory_space<hbm>> -> memref<128x32xf32, #tpu.memory_space<hbm>>
      %dma_wait3A_377 = arith.constant 0 : i32
      %dma_wait3A_378 = arith.constant 0 : i32
      %dma_wait3A_379 = tpu.memref_slice %arg3[%dma_wait3A_377, %dma_wait3A_378] : memref<1000000x32xf32, #tpu.memory_space<hbm>> -> memref<128x32xf32, #tpu.memory_space<hbm>>
      tpu.wait_dma2 semaphore(%arg11 : memref<!tpu.dma_semaphore, #tpu.memory_space<semaphore_mem>>) src(%dma_wait3A_379 : memref<128x32xf32, #tpu.memory_space<hbm>>) dst(%arg7 : memref<128x32xf32, #tpu.memory_space<vmem>>)
      %iota3A_380 = tpu.iota {dimensions = array<i32: 0>} : vector<16xi32>
      %jit3A_381 = arith.constant 8 : i32
      %div3A_382 = vector.broadcast %jit3A_381 : i32 to vector<16xi32>
      %div3A_383 = arith.divsi %iota3A_380, %div3A_382 : vector<16xi32>
      %sign3A_384 = arith.constant 0 : i32
      %sign3A_385 = vector.broadcast %sign3A_384 : i32 to vector<16xi32>
      %sign3A_386 = arith.cmpi sgt, %iota3A_380, %sign3A_385 : vector<16xi32>
      %sign3A_387 = arith.extui %sign3A_386 : vector<16xi1> to vector<16xi32>
      %sign3A_388 = arith.constant 0 : i32
      %sign3A_389 = vector.broadcast %sign3A_388 : i32 to vector<16xi32>
      %sign3A_390 = arith.cmpi slt, %iota3A_380, %sign3A_389 : vector<16xi32>
      %sign3A_391 = arith.extui %sign3A_390 : vector<16xi1> to vector<16xi32>
      %sign3A_392 = arith.subi %sign3A_387, %sign3A_391 : vector<16xi32>
      %sign3A_393 = arith.constant 0 : i32
      %sign3A_394 = arith.cmpi sgt, %jit3A_381, %sign3A_393 : i32
      %sign3A_395 = arith.extui %sign3A_394 : i1 to i32
      %sign3A_396 = arith.constant 0 : i32
      %sign3A_397 = arith.cmpi slt, %jit3A_381, %sign3A_396 : i32
      %sign3A_398 = arith.extui %sign3A_397 : i1 to i32
      %sign3A_399 = arith.subi %sign3A_395, %sign3A_398 : i32
      %ne3A_400 = vector.broadcast %sign3A_399 : i32 to vector<16xi32>
      %ne3A_401 = arith.cmpi ne, %sign3A_392, %ne3A_400 : vector<16xi32>
      %rem3A_402 = vector.broadcast %jit3A_381 : i32 to vector<16xi32>
      %rem3A_403 = arith.remsi %iota3A_380, %rem3A_402 : vector<16xi32>
      %ne3A_404 = arith.constant 0 : i32
      %ne3A_405 = vector.broadcast %ne3A_404 : i32 to vector<16xi32>
      %ne3A_406 = arith.cmpi ne, %rem3A_403, %ne3A_405 : vector<16xi32>
      %and3A_407 = arith.andi %ne3A_401, %ne3A_406 : vector<16xi1>
      %sub3A_408 = arith.constant 1 : i32
      %sub3A_409 = vector.broadcast %sub3A_408 : i32 to vector<16xi32>
      %sub3A_410 = arith.subi %div3A_383, %sub3A_409 : vector<16xi32>
      %select_n3A_411 = arith.select %and3A_407, %sub3A_410, %div3A_383 : vector<16xi1>, vector<16xi32>
      %add3A_412 = arith.constant 2 : i32
      %add3A_413 = vector.broadcast %add3A_412 : i32 to vector<16xi32>
      %add3A_414 = arith.addi %select_n3A_411, %add3A_413 : vector<16xi32>
      %jit3A_415 = arith.constant 8 : i32
      %eq3A_416 = arith.constant 0 : i32
      %eq3A_417 = arith.cmpi eq, %jit3A_415, %eq3A_416 : i32
      %jit3A_418 = arith.constant 1 : i32
      %select_n3A_419 = arith.select %eq3A_417, %jit3A_418, %jit3A_415 : i32
      %rem3A_420 = vector.broadcast %select_n3A_419 : i32 to vector<16xi32>
      %rem3A_421 = arith.remsi %iota3A_380, %rem3A_420 : vector<16xi32>
      %ne3A_422 = arith.constant 0 : i32
      %ne3A_423 = vector.broadcast %ne3A_422 : i32 to vector<16xi32>
      %ne3A_424 = arith.cmpi ne, %rem3A_421, %ne3A_423 : vector<16xi32>
      %lt3A_425 = arith.constant 0 : i32
      %lt3A_426 = vector.broadcast %lt3A_425 : i32 to vector<16xi32>
      %lt3A_427 = arith.cmpi slt, %rem3A_421, %lt3A_426 : vector<16xi32>
      %lt3A_428 = arith.constant 0 : i32
      %lt3A_429 = arith.cmpi slt, %select_n3A_419, %lt3A_428 : i32
      %ne3A_430 = vector.broadcast %lt3A_429 : i1 to vector<16xi1>
      %ne3A_431 = vector.broadcast %ne3A_430 : vector<16xi1> to vector<16xi1>
      %ne3A_432 = arith.xori %lt3A_427, %ne3A_431 : vector<16xi1>
      %and3A_433 = arith.andi %ne3A_432, %ne3A_424 : vector<16xi1>
      %add3A_434 = vector.broadcast %select_n3A_419 : i32 to vector<16xi32>
      %add3A_435 = arith.addi %rem3A_421, %add3A_434 : vector<16xi32>
      %select_n3A_436 = arith.select %and3A_433, %add3A_435, %rem3A_421 : vector<16xi1>, vector<16xi32>
      %scan3A_437 = arith.constant 0 : i32
      %scan3A_438 = arith.constant 0 : i32
      %scan3A_439 = arith.constant 128 : i32
      %scan3A_440 = arith.addi %scan3A_438, %scan3A_439 : i32
      %scan3A_441 = arith.constant 8 : i32
      scf.for %scan3A_569 = %scan3A_438 to %scan3A_440 step %scan3A_441  : i32 {
        %get3A = arith.index_cast %scan3A_569 : i32 to index
        %get3A_570 = arith.constant 0 : index
        %get3A_571 = tpu.vector_load %arg7[%get3A, %get3A_570] {strides = array<i32>} : memref<128x32xf32, #tpu.memory_space<vmem>>, vector<16xf32>,
        %get3A_572 = arith.index_cast %scan3A_569 : i32 to index
        %get3A_573 = arith.constant 16 : index
        %get3A_574 = tpu.vector_load %arg7[%get3A_572, %get3A_573] {strides = array<i32>} : memref<128x32xf32, #tpu.memory_space<vmem>>, vector<16xf32>,
        %broadcast_in_dim3A = vector.broadcast %scan3A_569 : i32 to vector<16xi32>
        tpu.vector_store_idx %arg9[%select_n3A_411, %select_n3A_436, %broadcast_in_dim3A], %get3A_571 : memref<4x8x129xf32, #tpu.memory_space<vmem>>[vector<16xi32>, vector<16xi32>, vector<16xi32>], vector<16xf32>,
        tpu.vector_store_idx %arg9[%add3A_414, %select_n3A_436, %broadcast_in_dim3A], %get3A_574 : memref<4x8x129xf32, #tpu.memory_space<vmem>>[vector<16xi32>, vector<16xi32>, vector<16xi32>], vector<16xf32>,
        %scan3A_575 = arith.constant 1 : i32
        %scan3A_576 = arith.addi %scan3A_569, %scan3A_575 : i32
        %get3A_577 = arith.index_cast %scan3A_576 : i32 to index
        %get3A_578 = arith.constant 0 : index
        %get3A_579 = tpu.vector_load %arg7[%get3A_577, %get3A_578] {strides = array<i32>} : memref<128x32xf32, #tpu.memory_space<vmem>>, vector<16xf32>,
        %get3A_580 = arith.index_cast %scan3A_576 : i32 to index
        %get3A_581 = arith.constant 16 : index
        %get3A_582 = tpu.vector_load %arg7[%get3A_580, %get3A_581] {strides = array<i32>} : memref<128x32xf32, #tpu.memory_space<vmem>>, vector<16xf32>,
        %broadcast_in_dim3A_583 = vector.broadcast %scan3A_576 : i32 to vector<16xi32>
        tpu.vector_store_idx %arg9[%select_n3A_411, %select_n3A_436, %broadcast_in_dim3A_583], %get3A_579 : memref<4x8x129xf32, #tpu.memory_space<vmem>>[vector<16xi32>, vector<16xi32>, vector<16xi32>], vector<16xf32>,
        tpu.vector_store_idx %arg9[%add3A_414, %select_n3A_436, %broadcast_in_dim3A_583], %get3A_582 : memref<4x8x129xf32, #tpu.memory_space<vmem>>[vector<16xi32>, vector<16xi32>, vector<16xi32>], vector<16xf32>,
        %scan3A_584 = arith.constant 2 : i32
        %scan3A_585 = arith.addi %scan3A_569, %scan3A_584 : i32
        %get3A_586 = arith.index_cast %scan3A_585 : i32 to index
        %get3A_587 = arith.constant 0 : index
        %get3A_588 = tpu.vector_load %arg7[%get3A_586, %get3A_587] {strides = array<i32>} : memref<128x32xf32, #tpu.memory_space<vmem>>, vector<16xf32>,
        %get3A_589 = arith.index_cast %scan3A_585 : i32 to index
        %get3A_590 = arith.constant 16 : index
        %get3A_591 = tpu.vector_load %arg7[%get3A_589, %get3A_590] {strides = array<i32>} : memref<128x32xf32, #tpu.memory_space<vmem>>, vector<16xf32>,
        %broadcast_in_dim3A_592 = vector.broadcast %scan3A_585 : i32 to vector<16xi32>
        tpu.vector_store_idx %arg9[%select_n3A_411, %select_n3A_436, %broadcast_in_dim3A_592], %get3A_588 : memref<4x8x129xf32, #tpu.memory_space<vmem>>[vector<16xi32>, vector<16xi32>, vector<16xi32>], vector<16xf32>,
        tpu.vector_store_idx %arg9[%add3A_414, %select_n3A_436, %broadcast_in_dim3A_592], %get3A_591 : memref<4x8x129xf32, #tpu.memory_space<vmem>>[vector<16xi32>, vector<16xi32>, vector<16xi32>], vector<16xf32>,
        %scan3A_593 = arith.constant 3 : i32
        %scan3A_594 = arith.addi %scan3A_569, %scan3A_593 : i32
        %get3A_595 = arith.index_cast %scan3A_594 : i32 to index
        %get3A_596 = arith.constant 0 : index
        %get3A_597 = tpu.vector_load %arg7[%get3A_595, %get3A_596] {strides = array<i32>} : memref<128x32xf32, #tpu.memory_space<vmem>>, vector<16xf32>,
        %get3A_598 = arith.index_cast %scan3A_594 : i32 to index
        %get3A_599 = arith.constant 16 : index
        %get3A_600 = tpu.vector_load %arg7[%get3A_598, %get3A_599] {strides = array<i32>} : memref<128x32xf32, #tpu.memory_space<vmem>>, vector<16xf32>,
        %broadcast_in_dim3A_601 = vector.broadcast %scan3A_594 : i32 to vector<16xi32>
        tpu.vector_store_idx %arg9[%select_n3A_411, %select_n3A_436, %broadcast_in_dim3A_601], %get3A_597 : memref<4x8x129xf32, #tpu.memory_space<vmem>>[vector<16xi32>, vector<16xi32>, vector<16xi32>], vector<16xf32>,
        tpu.vector_store_idx %arg9[%add3A_414, %select_n3A_436, %broadcast_in_dim3A_601], %get3A_600 : memref<4x8x129xf32, #tpu.memory_space<vmem>>[vector<16xi32>, vector<16xi32>, vector<16xi32>], vector<16xf32>,
        %scan3A_602 = arith.constant 4 : i32
        %scan3A_603 = arith.addi %scan3A_569, %scan3A_602 : i32
        %get3A_604 = arith.index_cast %scan3A_603 : i32 to index
        %get3A_605 = arith.constant 0 : index
        %get3A_606 = tpu.vector_load %arg7[%get3A_604, %get3A_605] {strides = array<i32>} : memref<128x32xf32, #tpu.memory_space<vmem>>, vector<16xf32>,
        %get3A_607 = arith.index_cast %scan3A_603 : i32 to index
        %get3A_608 = arith.constant 16 : index
        %get3A_609 = tpu.vector_load %arg7[%get3A_607, %get3A_608] {strides = array<i32>} : memref<128x32xf32, #tpu.memory_space<vmem>>, vector<16xf32>,
        %broadcast_in_dim3A_610 = vector.broadcast %scan3A_603 : i32 to vector<16xi32>
        tpu.vector_store_idx %arg9[%select_n3A_411, %select_n3A_436, %broadcast_in_dim3A_610], %get3A_606 : memref<4x8x129xf32, #tpu.memory_space<vmem>>[vector<16xi32>, vector<16xi32>, vector<16xi32>], vector<16xf32>,
        tpu.vector_store_idx %arg9[%add3A_414, %select_n3A_436, %broadcast_in_dim3A_610], %get3A_609 : memref<4x8x129xf32, #tpu.memory_space<vmem>>[vector<16xi32>, vector<16xi32>, vector<16xi32>], vector<16xf32>,
        %scan3A_611 = arith.constant 5 : i32
        %scan3A_612 = arith.addi %scan3A_569, %scan3A_611 : i32
        %get3A_613 = arith.index_cast %scan3A_612 : i32 to index
        %get3A_614 = arith.constant 0 : index
        %get3A_615 = tpu.vector_load %arg7[%get3A_613, %get3A_614] {strides = array<i32>} : memref<128x32xf32, #tpu.memory_space<vmem>>, vector<16xf32>,
        %get3A_616 = arith.index_cast %scan3A_612 : i32 to index
        %get3A_617 = arith.constant 16 : index
        %get3A_618 = tpu.vector_load %arg7[%get3A_616, %get3A_617] {strides = array<i32>} : memref<128x32xf32, #tpu.memory_space<vmem>>, vector<16xf32>,
        %broadcast_in_dim3A_619 = vector.broadcast %scan3A_612 : i32 to vector<16xi32>
        tpu.vector_store_idx %arg9[%select_n3A_411, %select_n3A_436, %broadcast_in_dim3A_619], %get3A_615 : memref<4x8x129xf32, #tpu.memory_space<vmem>>[vector<16xi32>, vector<16xi32>, vector<16xi32>], vector<16xf32>,
        tpu.vector_store_idx %arg9[%add3A_414, %select_n3A_436, %broadcast_in_dim3A_619], %get3A_618 : memref<4x8x129xf32, #tpu.memory_space<vmem>>[vector<16xi32>, vector<16xi32>, vector<16xi32>], vector<16xf32>,
        %scan3A_620 = arith.constant 6 : i32
        %scan3A_621 = arith.addi %scan3A_569, %scan3A_620 : i32
        %get3A_622 = arith.index_cast %scan3A_621 : i32 to index
        %get3A_623 = arith.constant 0 : index
        %get3A_624 = tpu.vector_load %arg7[%get3A_622, %get3A_623] {strides = array<i32>} : memref<128x32xf32, #tpu.memory_space<vmem>>, vector<16xf32>,
        %get3A_625 = arith.index_cast %scan3A_621 : i32 to index
        %get3A_626 = arith.constant 16 : index
        %get3A_627 = tpu.vector_load %arg7[%get3A_625, %get3A_626] {strides = array<i32>} : memref<128x32xf32, #tpu.memory_space<vmem>>, vector<16xf32>,
        %broadcast_in_dim3A_628 = vector.broadcast %scan3A_621 : i32 to vector<16xi32>
        tpu.vector_store_idx %arg9[%select_n3A_411, %select_n3A_436, %broadcast_in_dim3A_628], %get3A_624 : memref<4x8x129xf32, #tpu.memory_space<vmem>>[vector<16xi32>, vector<16xi32>, vector<16xi32>], vector<16xf32>,
        tpu.vector_store_idx %arg9[%add3A_414, %select_n3A_436, %broadcast_in_dim3A_628], %get3A_627 : memref<4x8x129xf32, #tpu.memory_space<vmem>>[vector<16xi32>, vector<16xi32>, vector<16xi32>], vector<16xf32>,
        %scan3A_629 = arith.constant 7 : i32
        %scan3A_630 = arith.addi %scan3A_569, %scan3A_629 : i32
        %get3A_631 = arith.index_cast %scan3A_630 : i32 to index
        %get3A_632 = arith.constant 0 : index
        %get3A_633 = tpu.vector_load %arg7[%get3A_631, %get3A_632] {strides = array<i32>} : memref<128x32xf32, #tpu.memory_space<vmem>>, vector<16xf32>,
        %get3A_634 = arith.index_cast %scan3A_630 : i32 to index
        %get3A_635 = arith.constant 16 : index
        %get3A_636 = tpu.vector_load %arg7[%get3A_634, %get3A_635] {strides = array<i32>} : memref<128x32xf32, #tpu.memory_space<vmem>>, vector<16xf32>,
        %broadcast_in_dim3A_637 = vector.broadcast %scan3A_630 : i32 to vector<16xi32>
        tpu.vector_store_idx %arg9[%select_n3A_411, %select_n3A_436, %broadcast_in_dim3A_637], %get3A_633 : memref<4x8x129xf32, #tpu.memory_space<vmem>>[vector<16xi32>, vector<16xi32>, vector<16xi32>], vector<16xf32>,
        tpu.vector_store_idx %arg9[%add3A_414, %select_n3A_436, %broadcast_in_dim3A_637], %get3A_636 : memref<4x8x129xf32, #tpu.memory_space<vmem>>[vector<16xi32>, vector<16xi32>, vector<16xi32>], vector<16xf32>,
      }
      %scan3A_442 = arith.constant 128 : i32
      %add3A_443 = arith.constant 2 : i32
      %add3A_444 = arith.addi %mul3A_182, %add3A_443 : i32
      %add3A_445 = arith.constant 1 : i32
      %add3A_446 = arith.addi %add3A_444, %add3A_445 : i32
      %lt3A_447 = arith.constant 200 : i32
      %lt3A_448 = arith.cmpi slt, %add3A_446, %lt3A_447 : i32
      %convert_element_type3A_449 = arith.extui %lt3A_448 : i1 to i32
      %cond3A_450 = arith.constant 0 : i32
      %cond3A_451 = arith.cmpi ne, %convert_element_type3A_449, %cond3A_450 : i32
      scf.if %cond3A_451 {
        %add3A_569 = arith.constant 2 : i32
        %add3A_570 = arith.addi %mul3A_182, %add3A_569 : i32
        %add3A_571 = arith.constant 1 : i32
        %add3A_572 = arith.addi %add3A_570, %add3A_571 : i32
        %jit3A_573 = arith.constant 4 : i32
        %div3A_574 = arith.divsi %add3A_572, %jit3A_573 : i32
        %sign3A_575 = arith.constant 0 : i32
        %sign3A_576 = arith.cmpi sgt, %add3A_572, %sign3A_575 : i32
        %sign3A_577 = arith.extui %sign3A_576 : i1 to i32
        %sign3A_578 = arith.constant 0 : i32
        %sign3A_579 = arith.cmpi slt, %add3A_572, %sign3A_578 : i32
        %sign3A_580 = arith.extui %sign3A_579 : i1 to i32
        %sign3A_581 = arith.subi %sign3A_577, %sign3A_580 : i32
        %sign3A_582 = arith.constant 0 : i32
        %sign3A_583 = arith.cmpi sgt, %jit3A_573, %sign3A_582 : i32
        %sign3A_584 = arith.extui %sign3A_583 : i1 to i32
        %sign3A_585 = arith.constant 0 : i32
        %sign3A_586 = arith.cmpi slt, %jit3A_573, %sign3A_585 : i32
        %sign3A_587 = arith.extui %sign3A_586 : i1 to i32
        %sign3A_588 = arith.subi %sign3A_584, %sign3A_587 : i32
        %ne3A_589 = arith.cmpi ne, %sign3A_581, %sign3A_588 : i32
        %rem3A_590 = arith.remsi %add3A_572, %jit3A_573 : i32
        %ne3A_591 = arith.constant 0 : i32
        %ne3A_592 = arith.cmpi ne, %rem3A_590, %ne3A_591 : i32
        %and3A_593 = arith.andi %ne3A_589, %ne3A_592 : i1
        %sub3A_594 = arith.constant 1 : i32
        %sub3A_595 = arith.subi %div3A_574, %sub3A_594 : i32
        %select_n3A_596 = arith.select %and3A_593, %sub3A_595, %div3A_574 : i32
        %jit3A_597 = arith.constant 4 : i32
        %eq3A_598 = arith.constant 0 : i32
        %eq3A_599 = arith.cmpi eq, %jit3A_597, %eq3A_598 : i32
        %jit3A_600 = arith.constant 1 : i32
        %select_n3A_601 = arith.select %eq3A_599, %jit3A_600, %jit3A_597 : i32
        %rem3A_602 = arith.remsi %add3A_572, %select_n3A_601 : i32
        %ne3A_603 = arith.constant 0 : i32
        %ne3A_604 = arith.cmpi ne, %rem3A_602, %ne3A_603 : i32
        %lt3A_605 = arith.constant 0 : i32
        %lt3A_606 = arith.cmpi slt, %rem3A_602, %lt3A_605 : i32
        %lt3A_607 = arith.constant 0 : i32
        %lt3A_608 = arith.cmpi slt, %select_n3A_601, %lt3A_607 : i32
        %ne3A_609 = arith.xori %lt3A_606, %lt3A_608 : i1
        %and3A_610 = arith.andi %ne3A_609, %ne3A_604 : i1
        %add3A_611 = arith.addi %rem3A_602, %select_n3A_601 : i32
        %select_n3A_612 = arith.select %and3A_610, %add3A_611, %rem3A_602 : i32
        %mul3A_613 = arith.constant 128 : i32
        %mul3A_614 = arith.muli %mul3A_613, %select_n3A_612 : i32
        %dma_start3A_615 = tpu.memref_slice %arg5[%select_n3A_596, %mul3A_614] : memref<50x512xi32, #tpu.memory_space<vmem>> -> memref<1x128xi32, #tpu.memory_space<vmem>>
        %dma_start3A_616 = tpu.memref_squeeze %dma_start3A_615 : memref<1x128xi32, #tpu.memory_space<vmem>> -> memref<128xi32, #tpu.memory_space<vmem>>
        %dma_start3A_617 = arith.constant 0 : i32
        %dma_start3A_618 = arith.constant 0 : i32
        %dma_start3A_619 = tpu.memref_slice %arg3[%dma_start3A_617, %dma_start3A_618] : memref<1000000x32xf32, #tpu.memory_space<hbm>> -> memref<1000000x32xf32, #tpu.memory_space<hbm>>
        tpu.enqueue_indirect_dma source(%dma_start3A_619 : memref<1000000x32xf32, #tpu.memory_space<hbm>>) target(%arg7 : memref<128x32xf32, #tpu.memory_space<vmem>>) offsets(%dma_start3A_616 : memref<128xi32, #tpu.memory_space<vmem>>) semaphore(%arg11 : memref<!tpu.dma_semaphore, #tpu.memory_space<semaphore_mem>>)
      } else {
      }
      %add3A_452 = arith.constant 1 : i32
      %add3A_453 = arith.addi %mul3A_182, %add3A_452 : i32
      %jit3A_454 = arith.constant 4 : i32
      %div3A_455 = arith.divsi %add3A_453, %jit3A_454 : i32
      %sign3A_456 = arith.constant 0 : i32
      %sign3A_457 = arith.cmpi sgt, %add3A_453, %sign3A_456 : i32
      %sign3A_458 = arith.extui %sign3A_457 : i1 to i32
      %sign3A_459 = arith.constant 0 : i32
      %sign3A_460 = arith.cmpi slt, %add3A_453, %sign3A_459 : i32
      %sign3A_461 = arith.extui %sign3A_460 : i1 to i32
      %sign3A_462 = arith.subi %sign3A_458, %sign3A_461 : i32
      %sign3A_463 = arith.constant 0 : i32
      %sign3A_464 = arith.cmpi sgt, %jit3A_454, %sign3A_463 : i32
      %sign3A_465 = arith.extui %sign3A_464 : i1 to i32
      %sign3A_466 = arith.constant 0 : i32
      %sign3A_467 = arith.cmpi slt, %jit3A_454, %sign3A_466 : i32
      %sign3A_468 = arith.extui %sign3A_467 : i1 to i32
      %sign3A_469 = arith.subi %sign3A_465, %sign3A_468 : i32
      %ne3A_470 = arith.cmpi ne, %sign3A_462, %sign3A_469 : i32
      %rem3A_471 = arith.remsi %add3A_453, %jit3A_454 : i32
      %ne3A_472 = arith.constant 0 : i32
      %ne3A_473 = arith.cmpi ne, %rem3A_471, %ne3A_472 : i32
      %and3A_474 = arith.andi %ne3A_470, %ne3A_473 : i1
      %sub3A_475 = arith.constant 1 : i32
      %sub3A_476 = arith.subi %div3A_455, %sub3A_475 : i32
      %select_n3A_477 = arith.select %and3A_474, %sub3A_476, %div3A_455 : i32
      %mul3A_478 = arith.constant 4 : i32
      %mul3A_479 = arith.muli %mul3A_478, %add3A : i32
      %jit3A_480 = arith.constant 4 : i32
      %eq3A_481 = arith.constant 0 : i32
      %eq3A_482 = arith.cmpi eq, %jit3A_480, %eq3A_481 : i32
      %jit3A_483 = arith.constant 1 : i32
      %select_n3A_484 = arith.select %eq3A_482, %jit3A_483, %jit3A_480 : i32
      %rem3A_485 = arith.remsi %add3A_453, %select_n3A_484 : i32
      %ne3A_486 = arith.constant 0 : i32
      %ne3A_487 = arith.cmpi ne, %rem3A_485, %ne3A_486 : i32
      %lt3A_488 = arith.constant 0 : i32
      %lt3A_489 = arith.cmpi slt, %rem3A_485, %lt3A_488 : i32
      %lt3A_490 = arith.constant 0 : i32
      %lt3A_491 = arith.cmpi slt, %select_n3A_484, %lt3A_490 : i32
      %ne3A_492 = arith.xori %lt3A_489, %lt3A_491 : i1
      %and3A_493 = arith.andi %ne3A_492, %ne3A_487 : i1
      %add3A_494 = arith.addi %rem3A_485, %select_n3A_484 : i32
      %select_n3A_495 = arith.select %and3A_493, %add3A_494, %rem3A_485 : i32
      %add3A_496 = arith.addi %mul3A_479, %select_n3A_495 : i32
      %dma_start3A_497 = arith.constant 0 : i32
      %dma_start3A_498 = arith.constant 0 : i32
      %dma_start3A_499 = arith.constant 0 : i32
      %dma_start3A_500 = arith.constant 0 : i32
      %dma_start3A_501 = tpu.memref_slice %arg9[%dma_start3A_497, %dma_start3A_499, %dma_start3A_500] : memref<4x8x129xf32, #tpu.memory_space<vmem>> -> memref<1x8x128xf32, #tpu.memory_space<vmem>>
      %dma_start3A_502 = tpu.memref_squeeze %dma_start3A_501 : memref<1x8x128xf32, #tpu.memory_space<vmem>> -> memref<8x128xf32, #tpu.memory_space<vmem>>
      %dma_start3A_503 = arith.constant 0 : i32
      %dma_start3A_504 = arith.constant 0 : i32
      %dma_start3A_505 = tpu.memref_slice %arg4[%select_n3A_477, %dma_start3A_498, %add3A_496, %dma_start3A_503, %dma_start3A_504] : memref<50x4x128x8x128xf32, #tpu.memory_space<hbm>> -> memref<1x1x1x8x128xf32, #tpu.memory_space<hbm>>
      %dma_start3A_506 = tpu.memref_squeeze %dma_start3A_505 : memref<1x1x1x8x128xf32, #tpu.memory_space<hbm>> -> memref<8x128xf32, #tpu.memory_space<hbm>>
      %dma_start3A_507 = arith.constant 0 : i32
      %dma_start3A_508 = arith.constant 0 : i32
      %dma_start3A_509 = tpu.memref_slice %arg4[%select_n3A_477, %dma_start3A_498, %add3A_496, %dma_start3A_507, %dma_start3A_508] : memref<50x4x128x8x128xf32, #tpu.memory_space<hbm>> -> memref<1x1x1x8x128xf32, #tpu.memory_space<hbm>>
      %dma_start3A_510 = tpu.memref_squeeze %dma_start3A_509 : memref<1x1x1x8x128xf32, #tpu.memory_space<hbm>> -> memref<8x128xf32, #tpu.memory_space<hbm>>
      %dma_start3A_511 = arith.constant 0 : i32
      %dma_start3A_512 = arith.constant 0 : i32
      %dma_start3A_513 = tpu.memref_slice %arg9[%dma_start3A_497, %dma_start3A_511, %dma_start3A_512] : memref<4x8x129xf32, #tpu.memory_space<vmem>> -> memref<1x8x128xf32, #tpu.memory_space<vmem>>
      %dma_start3A_514 = tpu.memref_squeeze %dma_start3A_513 : memref<1x8x128xf32, #tpu.memory_space<vmem>> -> memref<8x128xf32, #tpu.memory_space<vmem>>
      tpu.enqueue_dma source(%dma_start3A_514 : memref<8x128xf32, #tpu.memory_space<vmem>>) target(%dma_start3A_510 : memref<8x128xf32, #tpu.memory_space<hbm>>) target_semaphore(%arg13 : memref<!tpu.dma_semaphore, #tpu.memory_space<semaphore_mem>>)
      %dma_start3A_515 = arith.constant 1 : i32
      %dma_start3A_516 = arith.constant 1 : i32
      %dma_start3A_517 = arith.constant 0 : i32
      %dma_start3A_518 = arith.constant 0 : i32
      %dma_start3A_519 = tpu.memref_slice %arg9[%dma_start3A_515, %dma_start3A_517, %dma_start3A_518] : memref<4x8x129xf32, #tpu.memory_space<vmem>> -> memref<1x8x128xf32, #tpu.memory_space<vmem>>
      %dma_start3A_520 = tpu.memref_squeeze %dma_start3A_519 : memref<1x8x128xf32, #tpu.memory_space<vmem>> -> memref<8x128xf32, #tpu.memory_space<vmem>>
      %dma_start3A_521 = arith.constant 0 : i32
      %dma_start3A_522 = arith.constant 0 : i32
      %dma_start3A_523 = tpu.memref_slice %arg4[%select_n3A_477, %dma_start3A_516, %add3A_496, %dma_start3A_521, %dma_start3A_522] : memref<50x4x128x8x128xf32, #tpu.memory_space<hbm>> -> memref<1x1x1x8x128xf32, #tpu.memory_space<hbm>>
      %dma_start3A_524 = tpu.memref_squeeze %dma_start3A_523 : memref<1x1x1x8x128xf32, #tpu.memory_space<hbm>> -> memref<8x128xf32, #tpu.memory_space<hbm>>
      %dma_start3A_525 = arith.constant 0 : i32
      %dma_start3A_526 = arith.constant 0 : i32
      %dma_start3A_527 = tpu.memref_slice %arg4[%select_n3A_477, %dma_start3A_516, %add3A_496, %dma_start3A_525, %dma_start3A_526] : memref<50x4x128x8x128xf32, #tpu.memory_space<hbm>> -> memref<1x1x1x8x128xf32, #tpu.memory_space<hbm>>
      %dma_start3A_528 = tpu.memref_squeeze %dma_start3A_527 : memref<1x1x1x8x128xf32, #tpu.memory_space<hbm>> -> memref<8x128xf32, #tpu.memory_space<hbm>>
      %dma_start3A_529 = arith.constant 0 : i32
      %dma_start3A_530 = arith.constant 0 : i32
      %dma_start3A_531 = tpu.memref_slice %arg9[%dma_start3A_515, %dma_start3A_529, %dma_start3A_530] : memref<4x8x129xf32, #tpu.memory_space<vmem>> -> memref<1x8x128xf32, #tpu.memory_space<vmem>>
      %dma_start3A_532 = tpu.memref_squeeze %dma_start3A_531 : memref<1x8x128xf32, #tpu.memory_space<vmem>> -> memref<8x128xf32, #tpu.memory_space<vmem>>
      tpu.enqueue_dma source(%dma_start3A_532 : memref<8x128xf32, #tpu.memory_space<vmem>>) target(%dma_start3A_528 : memref<8x128xf32, #tpu.memory_space<hbm>>) target_semaphore(%arg13 : memref<!tpu.dma_semaphore, #tpu.memory_space<semaphore_mem>>)
      %dma_start3A_533 = arith.constant 2 : i32
      %dma_start3A_534 = arith.constant 2 : i32
      %dma_start3A_535 = arith.constant 0 : i32
      %dma_start3A_536 = arith.constant 0 : i32
      %dma_start3A_537 = tpu.memref_slice %arg9[%dma_start3A_533, %dma_start3A_535, %dma_start3A_536] : memref<4x8x129xf32, #tpu.memory_space<vmem>> -> memref<1x8x128xf32, #tpu.memory_space<vmem>>
      %dma_start3A_538 = tpu.memref_squeeze %dma_start3A_537 : memref<1x8x128xf32, #tpu.memory_space<vmem>> -> memref<8x128xf32, #tpu.memory_space<vmem>>
      %dma_start3A_539 = arith.constant 0 : i32
      %dma_start3A_540 = arith.constant 0 : i32
      %dma_start3A_541 = tpu.memref_slice %arg4[%select_n3A_477, %dma_start3A_534, %add3A_496, %dma_start3A_539, %dma_start3A_540] : memref<50x4x128x8x128xf32, #tpu.memory_space<hbm>> -> memref<1x1x1x8x128xf32, #tpu.memory_space<hbm>>
      %dma_start3A_542 = tpu.memref_squeeze %dma_start3A_541 : memref<1x1x1x8x128xf32, #tpu.memory_space<hbm>> -> memref<8x128xf32, #tpu.memory_space<hbm>>
      %dma_start3A_543 = arith.constant 0 : i32
      %dma_start3A_544 = arith.constant 0 : i32
      %dma_start3A_545 = tpu.memref_slice %arg4[%select_n3A_477, %dma_start3A_534, %add3A_496, %dma_start3A_543, %dma_start3A_544] : memref<50x4x128x8x128xf32, #tpu.memory_space<hbm>> -> memref<1x1x1x8x128xf32, #tpu.memory_space<hbm>>
      %dma_start3A_546 = tpu.memref_squeeze %dma_start3A_545 : memref<1x1x1x8x128xf32, #tpu.memory_space<hbm>> -> memref<8x128xf32, #tpu.memory_space<hbm>>
      %dma_start3A_547 = arith.constant 0 : i32
      %dma_start3A_548 = arith.constant 0 : i32
      %dma_start3A_549 = tpu.memref_slice %arg9[%dma_start3A_533, %dma_start3A_547, %dma_start3A_548] : memref<4x8x129xf32, #tpu.memory_space<vmem>> -> memref<1x8x128xf32, #tpu.memory_space<vmem>>
      %dma_start3A_550 = tpu.memref_squeeze %dma_start3A_549 : memref<1x8x128xf32, #tpu.memory_space<vmem>> -> memref<8x128xf32, #tpu.memory_space<vmem>>
      tpu.enqueue_dma source(%dma_start3A_550 : memref<8x128xf32, #tpu.memory_space<vmem>>) target(%dma_start3A_546 : memref<8x128xf32, #tpu.memory_space<hbm>>) target_semaphore(%arg13 : memref<!tpu.dma_semaphore, #tpu.memory_space<semaphore_mem>>)
      %dma_start3A_551 = arith.constant 3 : i32
      %dma_start3A_552 = arith.constant 3 : i32
      %dma_start3A_553 = arith.constant 0 : i32
      %dma_start3A_554 = arith.constant 0 : i32
      %dma_start3A_555 = tpu.memref_slice %arg9[%dma_start3A_551, %dma_start3A_553, %dma_start3A_554] : memref<4x8x129xf32, #tpu.memory_space<vmem>> -> memref<1x8x128xf32, #tpu.memory_space<vmem>>
      %dma_start3A_556 = tpu.memref_squeeze %dma_start3A_555 : memref<1x8x128xf32, #tpu.memory_space<vmem>> -> memref<8x128xf32, #tpu.memory_space<vmem>>
      %dma_start3A_557 = arith.constant 0 : i32
      %dma_start3A_558 = arith.constant 0 : i32
      %dma_start3A_559 = tpu.memref_slice %arg4[%select_n3A_477, %dma_start3A_552, %add3A_496, %dma_start3A_557, %dma_start3A_558] : memref<50x4x128x8x128xf32, #tpu.memory_space<hbm>> -> memref<1x1x1x8x128xf32, #tpu.memory_space<hbm>>
      %dma_start3A_560 = tpu.memref_squeeze %dma_start3A_559 : memref<1x1x1x8x128xf32, #tpu.memory_space<hbm>> -> memref<8x128xf32, #tpu.memory_space<hbm>>
      %dma_start3A_561 = arith.constant 0 : i32
      %dma_start3A_562 = arith.constant 0 : i32
      %dma_start3A_563 = tpu.memref_slice %arg4[%select_n3A_477, %dma_start3A_552, %add3A_496, %dma_start3A_561, %dma_start3A_562] : memref<50x4x128x8x128xf32, #tpu.memory_space<hbm>> -> memref<1x1x1x8x128xf32, #tpu.memory_space<hbm>>
      %dma_start3A_564 = tpu.memref_squeeze %dma_start3A_563 : memref<1x1x1x8x128xf32, #tpu.memory_space<hbm>> -> memref<8x128xf32, #tpu.memory_space<hbm>>
      %dma_start3A_565 = arith.constant 0 : i32
      %dma_start3A_566 = arith.constant 0 : i32
      %dma_start3A_567 = tpu.memref_slice %arg9[%dma_start3A_551, %dma_start3A_565, %dma_start3A_566] : memref<4x8x129xf32, #tpu.memory_space<vmem>> -> memref<1x8x128xf32, #tpu.memory_space<vmem>>
      %dma_start3A_568 = tpu.memref_squeeze %dma_start3A_567 : memref<1x8x128xf32, #tpu.memory_space<vmem>> -> memref<8x128xf32, #tpu.memory_space<vmem>>
      tpu.enqueue_dma source(%dma_start3A_568 : memref<8x128xf32, #tpu.memory_space<vmem>>) target(%dma_start3A_564 : memref<8x128xf32, #tpu.memory_space<hbm>>) target_semaphore(%arg13 : memref<!tpu.dma_semaphore, #tpu.memory_space<semaphore_mem>>)
    }
    %scan3A_20 = arith.constant 100 : i32
    %dma_wait3A = arith.constant 0 : i32
    %dma_wait3A_21 = arith.constant 0 : i32
    %dma_wait3A_22 = arith.constant 0 : i32
    %dma_wait3A_23 = arith.constant 0 : i32
    %dma_wait3A_24 = arith.constant 0 : i32
    %dma_wait3A_25 = arith.constant 0 : i32
    %dma_wait3A_26 = tpu.memref_slice %arg8[%dma_wait3A, %dma_wait3A_24, %dma_wait3A_25] : memref<4x8x129xf32, #tpu.memory_space<vmem>> -> memref<1x8x128xf32, #tpu.memory_space<vmem>>
    %dma_wait3A_27 = tpu.memref_squeeze %dma_wait3A_26 : memref<1x8x128xf32, #tpu.memory_space<vmem>> -> memref<8x128xf32, #tpu.memory_space<vmem>>
    %dma_wait3A_28 = arith.constant 0 : i32
    %dma_wait3A_29 = arith.constant 0 : i32
    %dma_wait3A_30 = tpu.memref_slice %arg4[%dma_wait3A_21, %dma_wait3A_22, %dma_wait3A_23, %dma_wait3A_28, %dma_wait3A_29] : memref<50x4x128x8x128xf32, #tpu.memory_space<hbm>> -> memref<1x1x1x8x128xf32, #tpu.memory_space<hbm>>
    %dma_wait3A_31 = tpu.memref_squeeze %dma_wait3A_30 : memref<1x1x1x8x128xf32, #tpu.memory_space<hbm>> -> memref<8x128xf32, #tpu.memory_space<hbm>>
    %dma_wait3A_32 = arith.constant 0 : i32
    %dma_wait3A_33 = arith.constant 0 : i32
    %dma_wait3A_34 = tpu.memref_slice %arg4[%dma_wait3A_21, %dma_wait3A_22, %dma_wait3A_23, %dma_wait3A_32, %dma_wait3A_33] : memref<50x4x128x8x128xf32, #tpu.memory_space<hbm>> -> memref<1x1x1x8x128xf32, #tpu.memory_space<hbm>>
    %dma_wait3A_35 = tpu.memref_squeeze %dma_wait3A_34 : memref<1x1x1x8x128xf32, #tpu.memory_space<hbm>> -> memref<8x128xf32, #tpu.memory_space<hbm>>
    %dma_wait3A_36 = arith.constant 0 : i32
    %dma_wait3A_37 = arith.constant 0 : i32
    %dma_wait3A_38 = tpu.memref_slice %arg8[%dma_wait3A, %dma_wait3A_36, %dma_wait3A_37] : memref<4x8x129xf32, #tpu.memory_space<vmem>> -> memref<1x8x128xf32, #tpu.memory_space<vmem>>
    %dma_wait3A_39 = tpu.memref_squeeze %dma_wait3A_38 : memref<1x8x128xf32, #tpu.memory_space<vmem>> -> memref<8x128xf32, #tpu.memory_space<vmem>>
    tpu.wait_dma2 semaphore(%arg12 : memref<!tpu.dma_semaphore, #tpu.memory_space<semaphore_mem>>) src(%dma_wait3A_39 : memref<8x128xf32, #tpu.memory_space<vmem>>) dst(%dma_wait3A_35 : memref<8x128xf32, #tpu.memory_space<hbm>>)
    %dma_wait3A_40 = arith.constant 1 : i32
    %dma_wait3A_41 = arith.constant 0 : i32
    %dma_wait3A_42 = arith.constant 1 : i32
    %dma_wait3A_43 = arith.constant 0 : i32
    %dma_wait3A_44 = arith.constant 0 : i32
    %dma_wait3A_45 = arith.constant 0 : i32
    %dma_wait3A_46 = tpu.memref_slice %arg8[%dma_wait3A_40, %dma_wait3A_44, %dma_wait3A_45] : memref<4x8x129xf32, #tpu.memory_space<vmem>> -> memref<1x8x128xf32, #tpu.memory_space<vmem>>
    %dma_wait3A_47 = tpu.memref_squeeze %dma_wait3A_46 : memref<1x8x128xf32, #tpu.memory_space<vmem>> -> memref<8x128xf32, #tpu.memory_space<vmem>>
    %dma_wait3A_48 = arith.constant 0 : i32
    %dma_wait3A_49 = arith.constant 0 : i32
    %dma_wait3A_50 = tpu.memref_slice %arg4[%dma_wait3A_41, %dma_wait3A_42, %dma_wait3A_43, %dma_wait3A_48, %dma_wait3A_49] : memref<50x4x128x8x128xf32, #tpu.memory_space<hbm>> -> memref<1x1x1x8x128xf32, #tpu.memory_space<hbm>>
    %dma_wait3A_51 = tpu.memref_squeeze %dma_wait3A_50 : memref<1x1x1x8x128xf32, #tpu.memory_space<hbm>> -> memref<8x128xf32, #tpu.memory_space<hbm>>
    %dma_wait3A_52 = arith.constant 0 : i32
    %dma_wait3A_53 = arith.constant 0 : i32
    %dma_wait3A_54 = tpu.memref_slice %arg4[%dma_wait3A_41, %dma_wait3A_42, %dma_wait3A_43, %dma_wait3A_52, %dma_wait3A_53] : memref<50x4x128x8x128xf32, #tpu.memory_space<hbm>> -> memref<1x1x1x8x128xf32, #tpu.memory_space<hbm>>
    %dma_wait3A_55 = tpu.memref_squeeze %dma_wait3A_54 : memref<1x1x1x8x128xf32, #tpu.memory_space<hbm>> -> memref<8x128xf32, #tpu.memory_space<hbm>>
    %dma_wait3A_56 = arith.constant 0 : i32
    %dma_wait3A_57 = arith.constant 0 : i32
    %dma_wait3A_58 = tpu.memref_slice %arg8[%dma_wait3A_40, %dma_wait3A_56, %dma_wait3A_57] : memref<4x8x129xf32, #tpu.memory_space<vmem>> -> memref<1x8x128xf32, #tpu.memory_space<vmem>>
    %dma_wait3A_59 = tpu.memref_squeeze %dma_wait3A_58 : memref<1x8x128xf32, #tpu.memory_space<vmem>> -> memref<8x128xf32, #tpu.memory_space<vmem>>
    tpu.wait_dma2 semaphore(%arg12 : memref<!tpu.dma_semaphore, #tpu.memory_space<semaphore_mem>>) src(%dma_wait3A_59 : memref<8x128xf32, #tpu.memory_space<vmem>>) dst(%dma_wait3A_55 : memref<8x128xf32, #tpu.memory_space<hbm>>)
    %dma_wait3A_60 = arith.constant 2 : i32
    %dma_wait3A_61 = arith.constant 0 : i32
    %dma_wait3A_62 = arith.constant 2 : i32
    %dma_wait3A_63 = arith.constant 0 : i32
    %dma_wait3A_64 = arith.constant 0 : i32
    %dma_wait3A_65 = arith.constant 0 : i32
    %dma_wait3A_66 = tpu.memref_slice %arg8[%dma_wait3A_60, %dma_wait3A_64, %dma_wait3A_65] : memref<4x8x129xf32, #tpu.memory_space<vmem>> -> memref<1x8x128xf32, #tpu.memory_space<vmem>>
    %dma_wait3A_67 = tpu.memref_squeeze %dma_wait3A_66 : memref<1x8x128xf32, #tpu.memory_space<vmem>> -> memref<8x128xf32, #tpu.memory_space<vmem>>
    %dma_wait3A_68 = arith.constant 0 : i32
    %dma_wait3A_69 = arith.constant 0 : i32
    %dma_wait3A_70 = tpu.memref_slice %arg4[%dma_wait3A_61, %dma_wait3A_62, %dma_wait3A_63, %dma_wait3A_68, %dma_wait3A_69] : memref<50x4x128x8x128xf32, #tpu.memory_space<hbm>> -> memref<1x1x1x8x128xf32, #tpu.memory_space<hbm>>
    %dma_wait3A_71 = tpu.memref_squeeze %dma_wait3A_70 : memref<1x1x1x8x128xf32, #tpu.memory_space<hbm>> -> memref<8x128xf32, #tpu.memory_space<hbm>>
    %dma_wait3A_72 = arith.constant 0 : i32
    %dma_wait3A_73 = arith.constant 0 : i32
    %dma_wait3A_74 = tpu.memref_slice %arg4[%dma_wait3A_61, %dma_wait3A_62, %dma_wait3A_63, %dma_wait3A_72, %dma_wait3A_73] : memref<50x4x128x8x128xf32, #tpu.memory_space<hbm>> -> memref<1x1x1x8x128xf32, #tpu.memory_space<hbm>>
    %dma_wait3A_75 = tpu.memref_squeeze %dma_wait3A_74 : memref<1x1x1x8x128xf32, #tpu.memory_space<hbm>> -> memref<8x128xf32, #tpu.memory_space<hbm>>
    %dma_wait3A_76 = arith.constant 0 : i32
    %dma_wait3A_77 = arith.constant 0 : i32
    %dma_wait3A_78 = tpu.memref_slice %arg8[%dma_wait3A_60, %dma_wait3A_76, %dma_wait3A_77] : memref<4x8x129xf32, #tpu.memory_space<vmem>> -> memref<1x8x128xf32, #tpu.memory_space<vmem>>
    %dma_wait3A_79 = tpu.memref_squeeze %dma_wait3A_78 : memref<1x8x128xf32, #tpu.memory_space<vmem>> -> memref<8x128xf32, #tpu.memory_space<vmem>>
    tpu.wait_dma2 semaphore(%arg12 : memref<!tpu.dma_semaphore, #tpu.memory_space<semaphore_mem>>) src(%dma_wait3A_79 : memref<8x128xf32, #tpu.memory_space<vmem>>) dst(%dma_wait3A_75 : memref<8x128xf32, #tpu.memory_space<hbm>>)
    %dma_wait3A_80 = arith.constant 3 : i32
    %dma_wait3A_81 = arith.constant 0 : i32
    %dma_wait3A_82 = arith.constant 3 : i32
    %dma_wait3A_83 = arith.constant 0 : i32
    %dma_wait3A_84 = arith.constant 0 : i32
    %dma_wait3A_85 = arith.constant 0 : i32
    %dma_wait3A_86 = tpu.memref_slice %arg8[%dma_wait3A_80, %dma_wait3A_84, %dma_wait3A_85] : memref<4x8x129xf32, #tpu.memory_space<vmem>> -> memref<1x8x128xf32, #tpu.memory_space<vmem>>
    %dma_wait3A_87 = tpu.memref_squeeze %dma_wait3A_86 : memref<1x8x128xf32, #tpu.memory_space<vmem>> -> memref<8x128xf32, #tpu.memory_space<vmem>>
    %dma_wait3A_88 = arith.constant 0 : i32
    %dma_wait3A_89 = arith.constant 0 : i32
    %dma_wait3A_90 = tpu.memref_slice %arg4[%dma_wait3A_81, %dma_wait3A_82, %dma_wait3A_83, %dma_wait3A_88, %dma_wait3A_89] : memref<50x4x128x8x128xf32, #tpu.memory_space<hbm>> -> memref<1x1x1x8x128xf32, #tpu.memory_space<hbm>>
    %dma_wait3A_91 = tpu.memref_squeeze %dma_wait3A_90 : memref<1x1x1x8x128xf32, #tpu.memory_space<hbm>> -> memref<8x128xf32, #tpu.memory_space<hbm>>
    %dma_wait3A_92 = arith.constant 0 : i32
    %dma_wait3A_93 = arith.constant 0 : i32
    %dma_wait3A_94 = tpu.memref_slice %arg4[%dma_wait3A_81, %dma_wait3A_82, %dma_wait3A_83, %dma_wait3A_92, %dma_wait3A_93] : memref<50x4x128x8x128xf32, #tpu.memory_space<hbm>> -> memref<1x1x1x8x128xf32, #tpu.memory_space<hbm>>
    %dma_wait3A_95 = tpu.memref_squeeze %dma_wait3A_94 : memref<1x1x1x8x128xf32, #tpu.memory_space<hbm>> -> memref<8x128xf32, #tpu.memory_space<hbm>>
    %dma_wait3A_96 = arith.constant 0 : i32
    %dma_wait3A_97 = arith.constant 0 : i32
    %dma_wait3A_98 = tpu.memref_slice %arg8[%dma_wait3A_80, %dma_wait3A_96, %dma_wait3A_97] : memref<4x8x129xf32, #tpu.memory_space<vmem>> -> memref<1x8x128xf32, #tpu.memory_space<vmem>>
    %dma_wait3A_99 = tpu.memref_squeeze %dma_wait3A_98 : memref<1x8x128xf32, #tpu.memory_space<vmem>> -> memref<8x128xf32, #tpu.memory_space<vmem>>
    tpu.wait_dma2 semaphore(%arg12 : memref<!tpu.dma_semaphore, #tpu.memory_space<semaphore_mem>>) src(%dma_wait3A_99 : memref<8x128xf32, #tpu.memory_space<vmem>>) dst(%dma_wait3A_95 : memref<8x128xf32, #tpu.memory_space<hbm>>)
    %dma_wait3A_100 = arith.constant 0 : i32
    %dma_wait3A_101 = arith.constant 0 : i32
    %dma_wait3A_102 = arith.constant 0 : i32
    %dma_wait3A_103 = arith.constant 0 : i32
    %dma_wait3A_104 = arith.constant 0 : i32
    %dma_wait3A_105 = arith.constant 0 : i32
    %dma_wait3A_106 = tpu.memref_slice %arg9[%dma_wait3A_100, %dma_wait3A_104, %dma_wait3A_105] : memref<4x8x129xf32, #tpu.memory_space<vmem>> -> memref<1x8x128xf32, #tpu.memory_space<vmem>>
    %dma_wait3A_107 = tpu.memref_squeeze %dma_wait3A_106 : memref<1x8x128xf32, #tpu.memory_space<vmem>> -> memref<8x128xf32, #tpu.memory_space<vmem>>
    %dma_wait3A_108 = arith.constant 0 : i32
    %dma_wait3A_109 = arith.constant 0 : i32
    %dma_wait3A_110 = tpu.memref_slice %arg4[%dma_wait3A_101, %dma_wait3A_102, %dma_wait3A_103, %dma_wait3A_108, %dma_wait3A_109] : memref<50x4x128x8x128xf32, #tpu.memory_space<hbm>> -> memref<1x1x1x8x128xf32, #tpu.memory_space<hbm>>
    %dma_wait3A_111 = tpu.memref_squeeze %dma_wait3A_110 : memref<1x1x1x8x128xf32, #tpu.memory_space<hbm>> -> memref<8x128xf32, #tpu.memory_space<hbm>>
    %dma_wait3A_112 = arith.constant 0 : i32
    %dma_wait3A_113 = arith.constant 0 : i32
    %dma_wait3A_114 = tpu.memref_slice %arg4[%dma_wait3A_101, %dma_wait3A_102, %dma_wait3A_103, %dma_wait3A_112, %dma_wait3A_113] : memref<50x4x128x8x128xf32, #tpu.memory_space<hbm>> -> memref<1x1x1x8x128xf32, #tpu.memory_space<hbm>>
    %dma_wait3A_115 = tpu.memref_squeeze %dma_wait3A_114 : memref<1x1x1x8x128xf32, #tpu.memory_space<hbm>> -> memref<8x128xf32, #tpu.memory_space<hbm>>
    %dma_wait3A_116 = arith.constant 0 : i32
    %dma_wait3A_117 = arith.constant 0 : i32
    %dma_wait3A_118 = tpu.memref_slice %arg9[%dma_wait3A_100, %dma_wait3A_116, %dma_wait3A_117] : memref<4x8x129xf32, #tpu.memory_space<vmem>> -> memref<1x8x128xf32, #tpu.memory_space<vmem>>
    %dma_wait3A_119 = tpu.memref_squeeze %dma_wait3A_118 : memref<1x8x128xf32, #tpu.memory_space<vmem>> -> memref<8x128xf32, #tpu.memory_space<vmem>>
    tpu.wait_dma2 semaphore(%arg13 : memref<!tpu.dma_semaphore, #tpu.memory_space<semaphore_mem>>) src(%dma_wait3A_119 : memref<8x128xf32, #tpu.memory_space<vmem>>) dst(%dma_wait3A_115 : memref<8x128xf32, #tpu.memory_space<hbm>>)
    %dma_wait3A_120 = arith.constant 1 : i32
    %dma_wait3A_121 = arith.constant 0 : i32
    %dma_wait3A_122 = arith.constant 1 : i32
    %dma_wait3A_123 = arith.constant 0 : i32
    %dma_wait3A_124 = arith.constant 0 : i32
    %dma_wait3A_125 = arith.constant 0 : i32
    %dma_wait3A_126 = tpu.memref_slice %arg9[%dma_wait3A_120, %dma_wait3A_124, %dma_wait3A_125] : memref<4x8x129xf32, #tpu.memory_space<vmem>> -> memref<1x8x128xf32, #tpu.memory_space<vmem>>
    %dma_wait3A_127 = tpu.memref_squeeze %dma_wait3A_126 : memref<1x8x128xf32, #tpu.memory_space<vmem>> -> memref<8x128xf32, #tpu.memory_space<vmem>>
    %dma_wait3A_128 = arith.constant 0 : i32
    %dma_wait3A_129 = arith.constant 0 : i32
    %dma_wait3A_130 = tpu.memref_slice %arg4[%dma_wait3A_121, %dma_wait3A_122, %dma_wait3A_123, %dma_wait3A_128, %dma_wait3A_129] : memref<50x4x128x8x128xf32, #tpu.memory_space<hbm>> -> memref<1x1x1x8x128xf32, #tpu.memory_space<hbm>>
    %dma_wait3A_131 = tpu.memref_squeeze %dma_wait3A_130 : memref<1x1x1x8x128xf32, #tpu.memory_space<hbm>> -> memref<8x128xf32, #tpu.memory_space<hbm>>
    %dma_wait3A_132 = arith.constant 0 : i32
    %dma_wait3A_133 = arith.constant 0 : i32
    %dma_wait3A_134 = tpu.memref_slice %arg4[%dma_wait3A_121, %dma_wait3A_122, %dma_wait3A_123, %dma_wait3A_132, %dma_wait3A_133] : memref<50x4x128x8x128xf32, #tpu.memory_space<hbm>> -> memref<1x1x1x8x128xf32, #tpu.memory_space<hbm>>
    %dma_wait3A_135 = tpu.memref_squeeze %dma_wait3A_134 : memref<1x1x1x8x128xf32, #tpu.memory_space<hbm>> -> memref<8x128xf32, #tpu.memory_space<hbm>>
    %dma_wait3A_136 = arith.constant 0 : i32
    %dma_wait3A_137 = arith.constant 0 : i32
    %dma_wait3A_138 = tpu.memref_slice %arg9[%dma_wait3A_120, %dma_wait3A_136, %dma_wait3A_137] : memref<4x8x129xf32, #tpu.memory_space<vmem>> -> memref<1x8x128xf32, #tpu.memory_space<vmem>>
    %dma_wait3A_139 = tpu.memref_squeeze %dma_wait3A_138 : memref<1x8x128xf32, #tpu.memory_space<vmem>> -> memref<8x128xf32, #tpu.memory_space<vmem>>
    tpu.wait_dma2 semaphore(%arg13 : memref<!tpu.dma_semaphore, #tpu.memory_space<semaphore_mem>>) src(%dma_wait3A_139 : memref<8x128xf32, #tpu.memory_space<vmem>>) dst(%dma_wait3A_135 : memref<8x128xf32, #tpu.memory_space<hbm>>)
    %dma_wait3A_140 = arith.constant 2 : i32
    %dma_wait3A_141 = arith.constant 0 : i32
    %dma_wait3A_142 = arith.constant 2 : i32
    %dma_wait3A_143 = arith.constant 0 : i32
    %dma_wait3A_144 = arith.constant 0 : i32
    %dma_wait3A_145 = arith.constant 0 : i32
    %dma_wait3A_146 = tpu.memref_slice %arg9[%dma_wait3A_140, %dma_wait3A_144, %dma_wait3A_145] : memref<4x8x129xf32, #tpu.memory_space<vmem>> -> memref<1x8x128xf32, #tpu.memory_space<vmem>>
    %dma_wait3A_147 = tpu.memref_squeeze %dma_wait3A_146 : memref<1x8x128xf32, #tpu.memory_space<vmem>> -> memref<8x128xf32, #tpu.memory_space<vmem>>
    %dma_wait3A_148 = arith.constant 0 : i32
    %dma_wait3A_149 = arith.constant 0 : i32
    %dma_wait3A_150 = tpu.memref_slice %arg4[%dma_wait3A_141, %dma_wait3A_142, %dma_wait3A_143, %dma_wait3A_148, %dma_wait3A_149] : memref<50x4x128x8x128xf32, #tpu.memory_space<hbm>> -> memref<1x1x1x8x128xf32, #tpu.memory_space<hbm>>
    %dma_wait3A_151 = tpu.memref_squeeze %dma_wait3A_150 : memref<1x1x1x8x128xf32, #tpu.memory_space<hbm>> -> memref<8x128xf32, #tpu.memory_space<hbm>>
    %dma_wait3A_152 = arith.constant 0 : i32
    %dma_wait3A_153 = arith.constant 0 : i32
    %dma_wait3A_154 = tpu.memref_slice %arg4[%dma_wait3A_141, %dma_wait3A_142, %dma_wait3A_143, %dma_wait3A_152, %dma_wait3A_153] : memref<50x4x128x8x128xf32, #tpu.memory_space<hbm>> -> memref<1x1x1x8x128xf32, #tpu.memory_space<hbm>>
    %dma_wait3A_155 = tpu.memref_squeeze %dma_wait3A_154 : memref<1x1x1x8x128xf32, #tpu.memory_space<hbm>> -> memref<8x128xf32, #tpu.memory_space<hbm>>
    %dma_wait3A_156 = arith.constant 0 : i32
    %dma_wait3A_157 = arith.constant 0 : i32
    %dma_wait3A_158 = tpu.memref_slice %arg9[%dma_wait3A_140, %dma_wait3A_156, %dma_wait3A_157] : memref<4x8x129xf32, #tpu.memory_space<vmem>> -> memref<1x8x128xf32, #tpu.memory_space<vmem>>
    %dma_wait3A_159 = tpu.memref_squeeze %dma_wait3A_158 : memref<1x8x128xf32, #tpu.memory_space<vmem>> -> memref<8x128xf32, #tpu.memory_space<vmem>>
    tpu.wait_dma2 semaphore(%arg13 : memref<!tpu.dma_semaphore, #tpu.memory_space<semaphore_mem>>) src(%dma_wait3A_159 : memref<8x128xf32, #tpu.memory_space<vmem>>) dst(%dma_wait3A_155 : memref<8x128xf32, #tpu.memory_space<hbm>>)
    %dma_wait3A_160 = arith.constant 3 : i32
    %dma_wait3A_161 = arith.constant 0 : i32
    %dma_wait3A_162 = arith.constant 3 : i32
    %dma_wait3A_163 = arith.constant 0 : i32
    %dma_wait3A_164 = arith.constant 0 : i32
    %dma_wait3A_165 = arith.constant 0 : i32
    %dma_wait3A_166 = tpu.memref_slice %arg9[%dma_wait3A_160, %dma_wait3A_164, %dma_wait3A_165] : memref<4x8x129xf32, #tpu.memory_space<vmem>> -> memref<1x8x128xf32, #tpu.memory_space<vmem>>
    %dma_wait3A_167 = tpu.memref_squeeze %dma_wait3A_166 : memref<1x8x128xf32, #tpu.memory_space<vmem>> -> memref<8x128xf32, #tpu.memory_space<vmem>>
    %dma_wait3A_168 = arith.constant 0 : i32
    %dma_wait3A_169 = arith.constant 0 : i32
    %dma_wait3A_170 = tpu.memref_slice %arg4[%dma_wait3A_161, %dma_wait3A_162, %dma_wait3A_163, %dma_wait3A_168, %dma_wait3A_169] : memref<50x4x128x8x128xf32, #tpu.memory_space<hbm>> -> memref<1x1x1x8x128xf32, #tpu.memory_space<hbm>>
    %dma_wait3A_171 = tpu.memref_squeeze %dma_wait3A_170 : memref<1x1x1x8x128xf32, #tpu.memory_space<hbm>> -> memref<8x128xf32, #tpu.memory_space<hbm>>
    %dma_wait3A_172 = arith.constant 0 : i32
    %dma_wait3A_173 = arith.constant 0 : i32
    %dma_wait3A_174 = tpu.memref_slice %arg4[%dma_wait3A_161, %dma_wait3A_162, %dma_wait3A_163, %dma_wait3A_172, %dma_wait3A_173] : memref<50x4x128x8x128xf32, #tpu.memory_space<hbm>> -> memref<1x1x1x8x128xf32, #tpu.memory_space<hbm>>
    %dma_wait3A_175 = tpu.memref_squeeze %dma_wait3A_174 : memref<1x1x1x8x128xf32, #tpu.memory_space<hbm>> -> memref<8x128xf32, #tpu.memory_space<hbm>>
    %dma_wait3A_176 = arith.constant 0 : i32
    %dma_wait3A_177 = arith.constant 0 : i32
    %dma_wait3A_178 = tpu.memref_slice %arg9[%dma_wait3A_160, %dma_wait3A_176, %dma_wait3A_177] : memref<4x8x129xf32, #tpu.memory_space<vmem>> -> memref<1x8x128xf32, #tpu.memory_space<vmem>>
    %dma_wait3A_179 = tpu.memref_squeeze %dma_wait3A_178 : memref<1x8x128xf32, #tpu.memory_space<vmem>> -> memref<8x128xf32, #tpu.memory_space<vmem>>
    tpu.wait_dma2 semaphore(%arg13 : memref<!tpu.dma_semaphore, #tpu.memory_space<semaphore_mem>>) src(%dma_wait3A_179 : memref<8x128xf32, #tpu.memory_space<vmem>>) dst(%dma_wait3A_175 : memref<8x128xf32, #tpu.memory_space<hbm>>)
    return
  }
}

</mosaic_0001>

<sc_bundles>
// kernel: kernel.3.cloned.1.call-start
scs
__scs_entry_jumppad:
0x0: {  	(pc) =	sbr.rel $0x88, $3  }
0x1: {  	(tag) =	ssettag $0x0;
	lr =	simm.s32 $0x1  }
0x2: {  	[smem:$0x3F9F] =	sst lr;
	_ =	strace $0xD0000000  }
0x3: {  	_ = 	snop  }
0x4: {  	_ = 	snop  }
0x5: {  	_ = 	snop  }
0x6: {  	_ = 	snop  }
0x7: {  	_ = 	snop  }
__scs_overlays_trampoline_lowered:
0x8: {  	[smem:$0x3FAE] =	sst s0  }
0x9: {  	[smem:$0x3FAF] =	sst s1  }
0xa: {  	[smem:$0x3FB0] =	sst s2  }
0xb: {  	[smem:$0x3FB1] =	sst s3  }
0xc: {  	[smem:$0x3FB2] =	sst s4  }
0xd: {  	[smem:$0x3FB3] =	sst s5  }
0xe: {  	[smem:$0x3FB4] =	sst s6  }
0xf: {  	[smem:$0x3FB5] =	sst s7  }
0x10: {  	[smem:$0x3FB6] =	sst s8  }
0x11: {  	[smem:$0x3FB7] =	sst s9;
	s0 =	simm.s32 @!p0 $0x0  }
0x12: {  	s1 =	sld [smem:$0x3F9D];
	s0 =	simm.s32 @p0 $0x1  }
0x13: {  	[smem:$0x3FB8] =	sst s0;
	s0 =	simm.s32 @!p1 $0x0  }
0x14: {  	s2 =	sld [smem:$0x3F9C];
	s0 =	simm.s32 @p1 $0x1  }
0x15: {  	[smem:$0x3FB9] =	sst s0;
	s0 =	simm.s32 @!p2 $0x0  }
0x16: {  	s3 =	sld [smem:$0x3FDB];
	s0 =	simm.s32 @p2 $0x1  }
0x17: {  	s4 =	simm.s32 $0x1BF5;
	[smem:$0x3FBB] =	sst s0  }
0x18: {  	s0 =	sld [smem:$0x3F9E];
	_ =	swait.ge [sflag:s4], $0x0  }
0x19: {  	s7 =	sld [smem:$0x3F9F]  }
0x1a: {  	s8 =	sadd.s32 $0xFFFFE003, lr  }
0x1b: {  	s9 =	sadd.s32 $0xFFFFFEF7, lr;
	s5 =	simm.s32 $0xFFFFFFFF;
	p2 =	slt.u32 s8, $0xFFFFF086  }
0x1c: {  	p1 =	slt.u32 s9, $0xF7A;
	s5 =	simm.s32 @!p2 $0x0  }
0x1d: {  	s5 =	simm.s32 @p1 $0x1;
	p0 =	seq.s32 s7, s2  }
0x1e: {  	s7 =	smul.u32 @!p0 $0xF7A, s2;
	p2 =	seq.s32 @!p0 s5, $0x0  }
0x1f: {  	s9 =	smul.u32 $0xF7A, s1;
	s8 =	simm.s32 @!p0 $0x1BF5;
	p2 =	por !p2, p0  }
0x20: {  	[sflag:s8] =	ssyncset.s32 @!p0 $0xFFFFF086;
	s6 =	sadd.s32 @!p0 s3, s7;
	s7 =	simm.s32 @!p0 $0x108  }
0x21: {  	s3 =	sadd.s32 s3, s9;
	s6 =	sadd.s32 @!p0 $0x88, s6;
	s7 =	simm.s32 @p2 $0x1082  }
0x22: {  	[simem:s7], [sflag:s8] =	dma.local @!p0 [hbm:s6], $0xF7A  }
0x23: {  	s9 =	sor.u32 $0xD0000000, s2;
	s6 =	simm.s32 $0x108;
	_ =	swait.ge @!p0 [sflag:s8], $0x0  }
0x24: {  	s3 =	sadd.s32 $0x88, s3;
	s6 =	simm.s32 @!p1 $0x1082;
	[sflag:s4] =	ssyncset.s32 $0xFFFFF086  }
0x25: {  	[simem:s6], [sflag:s4] =	dma.local [hbm:s3], $0xF7A  }
0x26: {  	[smem:$0x3F9F] =	sst s1;
	(tag) =	ssettag s2;
	_ =	strace s9  }
0x27: {  	s1 =	sld [smem:$0x3FAF]  }
0x28: {  	s2 =	sld [smem:$0x3FB0]  }
0x29: {  	s4 =	sld [smem:$0x3FB2]  }
0x2a: {  	p0 =	seq.s32 s5, $0x0;
	s5 =	sld [smem:$0x3FB3]  }
0x2b: {  	s6 =	sld [smem:$0x3FB4]  }
0x2c: {  	s7 =	sld [smem:$0x3FB5]  }
0x2d: {  	s3 =	simm.s32 $0x108;
	s8 =	sld [smem:$0x3FB6]  }
0x2e: {  	s3 =	simm.s32 @!p0 $0x1082;
	s9 =	sld [smem:$0x3FB7]  }
0x2f: {  	lr =	sadd.s32 s0, s3;
	s0 =	sld [smem:$0x3FAE]  }
0x30: {  	s3 =	sld [smem:$0x3FB1]  }
0x31: {  	[smem:$0x3FBA] =	sst s10  }
0x32: {  	s10 =	sld [smem:$0x3FB8];
	_ =	sdelay $0x3  }
0x33: {  	p0 =	seq.s32 s10, $0x1;
	s10 =	sld [smem:$0x3FBA];
	_ =	sdelay $0x3  }
0x34: {  	[smem:$0x3FBA] =	sst s10  }
0x35: {  	s10 =	sld [smem:$0x3FB9];
	_ =	sdelay $0x3  }
0x36: {  	p1 =	seq.s32 s10, $0x1;
	s10 =	sld [smem:$0x3FBA];
	_ =	sdelay $0x3  }
0x37: {  	[smem:$0x3FBA] =	sst s10  }
0x38: {  	s10 =	sld [smem:$0x3FBB]  }
0x39: {  	_ = 	snop;
	(pc) =	sbr.ind lr, $3  }
0x3a: {  	_ = 	snop  }
0x3b: {  	_ = 	snop  }
0x3c: {  	p2 =	seq.s32 s10, $0x1;
	s10 =	sld [smem:$0x3FBA]  }
0x3d: {  	_ =	shalt  }
0x3e: {  	_ =	shalt  }
0x3f: {  	_ =	shalt  }
0x40: {  	_ =	shalt  }
0x41: {  	_ =	shalt  }
0x42: {  	_ =	shalt  }
0x43: {  	_ =	shalt  }
0x44: {  	_ =	shalt  }
0x45: {  	_ =	shalt  }
0x46: {  	_ =	shalt  }
0x47: {  	_ =	shalt  }
0x48: {  	_ =	shalt  }
0x49: {  	_ =	shalt  }
0x4a: {  	_ =	shalt  }
0x4b: {  	_ =	shalt  }
0x4c: {  	_ =	shalt  }
0x4d: {  	_ =	shalt  }
0x4e: {  	_ =	shalt  }
0x4f: {  	_ =	shalt  }
0x50: {  	_ =	shalt  }
0x51: {  	_ =	shalt  }
0x52: {  	_ =	shalt  }
0x53: {  	_ =	shalt  }
0x54: {  	_ =	shalt  }
0x55: {  	_ =	shalt  }
0x56: {  	_ =	shalt  }
0x57: {  	_ =	shalt  }
0x58: {  	_ =	shalt  }
0x59: {  	_ =	shalt  }
0x5a: {  	_ =	shalt  }
0x5b: {  	_ =	shalt  }
0x5c: {  	_ =	shalt  }
0x5d: {  	_ =	shalt  }
0x5e: {  	_ =	shalt  }
0x5f: {  	_ =	shalt  }
0x60: {  	_ =	shalt  }
0x61: {  	_ =	shalt  }
0x62: {  	_ =	shalt  }
0x63: {  	_ =	shalt  }
0x64: {  	_ =	shalt  }
0x65: {  	_ =	shalt  }
0x66: {  	_ =	shalt  }
0x67: {  	_ =	shalt  }
0x68: {  	_ =	shalt  }
0x69: {  	_ =	shalt  }
0x6a: {  	_ =	shalt  }
0x6b: {  	_ =	shalt  }
0x6c: {  	_ =	shalt  }
0x6d: {  	_ =	shalt  }
0x6e: {  	_ =	shalt  }
0x6f: {  	_ =	shalt  }
0x70: {  	_ =	shalt  }
0x71: {  	_ =	shalt  }
0x72: {  	_ =	shalt  }
0x73: {  	_ =	shalt  }
0x74: {  	_ =	shalt  }
0x75: {  	_ =	shalt  }
0x76: {  	_ =	shalt  }
0x77: {  	_ =	shalt  }
0x78: {  	_ =	shalt  }
0x79: {  	_ =	shalt  }
0x7a: {  	_ =	shalt  }
0x7b: {  	_ =	shalt  }
0x7c: {  	_ =	shalt  }
0x7d: {  	_ =	shalt  }
0x7e: {  	_ =	shalt  }
0x7f: {  	_ =	shalt  }
0x80: {  	_ =	shalt  }
0x81: {  	_ =	shalt  }
0x82: {  	_ =	shalt  }
0x83: {  	_ =	shalt  }
0x84: {  	_ =	shalt  }
0x85: {  	_ =	shalt  }
0x86: {  	_ =	shalt  }
0x87: {  	_ =	shalt  }
.Lfunc_end0:
.L_simem_size_0:
called_computation_lowered:
.L_overlay_start_0:
0x88: {  	s2 =	sld [smem:$0x3FD9]  }
0x89: {  	s3 =	sld [smem:$0x3FFE];
	_ =	sdelay $0x1  }
0x8a: {  	s1 =	srdreg.scid  }
0x8b: {  	s0 =	sand.u32 $0x1, s1  }
0x8c: {  	s17 =	sshll.u32 s0, $0xA;
	s2 =	sadd.s32 s3, s2  }
0x8d: {  	s2 =	sadd.s32 s2, s17  }
0x8e: {  	[smem:$0x3FC6] =	sst s2  }
0x8f: {  	_ = 	snop  }
0x90: {  	s2 =	sld [smem:$0x3FD0];
	(tm) =	ssettm $0x1  }
0x91: {  	s18 =	sld [smem:$0x3FFB];
	_ =	sdelay $0x3  }
0x92: {  	_ =	strace s18  }
0x93: {  	s3 =	sld [smem:$0x3FFC];
	_ =	sdelay $0x3  }
0x94: {  	_ =	strace s3  }
0x95: {  	s3 =	sld [smem:$0x3FFD];
	_ =	sdelay $0x3  }
0x96: {  	_ =	strace s3  }
0x97: {  	_ =	strace $0x8FFFFFFF  }
0x98: {  	s19 =	sld [smem:$0x3FDB];
	_ =	sdelay $0x1  }
0x99: {  	s4 =	simm.s32 $_scs_section_size  }
0x9a: {  	s5 =	simm.s32 $_size__tile_overlayer_lowered;
	s6 =	simm.s32 $_tile_overlayer_lowered  }
0x9b: {  	s22 =	simm.s32 $0x1BFF;
	s21 =	sshll.u32 s6, $0x1;
	s3 =	sadd.s32 s4, s19  }
0x9c: {  	s7 =	simm.s32 $0x0;
	s20 =	sshll.u32 s5, $0x1;
	s5 =	sadd.s32 s21, s3  }
0x9d: {  	[timem:s7], [sflag:s22] =	dma.local [hbm:s5], s20  }
0x9e: {  	_ =	swait.ge [sflag:s22], s20  }
0x9f: {  	s4 =	ssub.s32 $0x0, s20;
	[sflag:s22] =	ssyncset.done $0x0  }
0xa0: {  	[sflag:s22] =	ssyncadd.s32 s4;
	_ =	sdelay $0x1  }
0xa1: {  	s23 =	simm.s32 $0x1B8B  }
0xa2: {  	_ =	swait.ge [sflag:s23], $0x1  }
0xa3: {  	[sflag:s23] =	ssyncset.done $0x0  }
0xa4: {  	s25 =	simm.s32 $0x1B8E;
	s24 =	sld [smem:$0x3FFE];
	[sflag:s23] =	ssyncadd.s32 $0xFFFFFFFF  }
0xa5: {  	s26 =	simm.s32 $execute0_lowered;
	[smem:$0x3FD2] =	sst s25  }
0xa6: {  	s5 =	sshll.u32 s26, $0x1;
	_ =	strace $0x80000046;
	[dreg:$0x1] =	wrdreg $0xFFFFFFFF  }
0xa7: {  	s28 =	simm.s32 $_size_execute0_lowered;
	s3 =	sadd.s32 s3, s5;
	[dreg:$0x0] =	wrdreg $0x0  }
0xa8: {  	s5 =	sshll.u32 s28, $0x1;
	[dreg:$0x2] =	wrdreg s3  }
0xa9: {  	[dreg:$0x3] =	wrdreg s5  }
0xaa: {  	[dreg:$0x4] =	wrdreg $0xC0  }
0xab: {  	_ =	task [dreg:s7], $0x5FFFF  }
0xac: {  	[dreg:$0x1] =	wrdreg $0xFFFFFFFF  }
0xad: {  	[dreg:$0x0] =	wrdreg $0x60  }
0xae: {  	[dreg:$0x2] =	wrdreg s24  }
0xaf: {  	[dreg:$0x3] =	wrdreg s2  }
0xb0: {  	[dreg:$0x4] =	wrdreg $0x9  }
0xb1: {  	_ =	task.clear_ibuf [dreg:s7], $0x5FFFF;
	_ =	strace $0x90000046  }
0xb2: {  	s29 =	simm.s32 $0x9;
	_ =	strace $0x80000048  }
0xb3: {  	_ =	swait.ge [sflag:s29], $0x1  }
0xb4: {  	[sflag:s29] =	ssyncadd.s32 $0xFFFFFFFF  }
0xb5: {  	_ =	strace $0x90000048  }
0xb6: {  	_ =	sfence  }
0xb7: {  	s30 =	sld [smem:$0x0];
	_ =	sdelay $0x2  }
0xb8: {  	s31 =	sshll.u32 s1, $0xD;
	s1 =	sshrl.u32 s1, $0x2  }
0xb9: {  	s3 =	sand.u32 $0x4000, s31;
	s1 =	sadd.s32 s1, s30  }
0xba: {  	s0 =	sor.u32 s3, s0;
	s1 =	sshll.u32 s1, $0x11  }
0xbb: {  	s0 =	sor.u32 s1, s0  }
0xbc: {  	s0 =	sadd.s32 $0x8F2B, s0  }
0xbd: {  	[sflag:s0] =	ssyncadd.remote.s32 $0x1  }
0xbe: {  	_ =	sfence.sel $0xFFFF  }
0xbf: {  	[dreg:$0x0] =	wrdreg $0xFFFFFFFF;
	(pc) =	sbr.abs _section_cstart, $3  }
0xc0: {  	[dreg:$0x1] =	wrdreg $0xFFFFFFFF  }
0xc1: {  	_ =	task.clear_ibuf [dreg:s7], $0x2FFFF;
	_ =	strace $0x9FFFFFFF  }
0xc2: {  	(tm) =	ssettm $0x7FFFFFFF  }
0xc3: {  	_ =	shalt  }
tec
execute0_lowered:
.L_overlay_start_1:
0x0: {  	(tag) =	ssettag $0x1  }
0x1: {  	s0 =	rddreg [dreg:$0x0]  }
0x2: {  	s2 =	rddreg [dreg:$0x1]  }
0x3: {  	s1 =	srdreg.scid;
	s4 =	stileid.u32;
	s3 =	simm.s32 $0x0  }
0x4: {  	s14 =	simm.s32 $0x1;
	s15 =	simm.s32 $0x8400;
	s22 =	simm.s32 $0x2  }
0x5: {  	s23 =	simm.s32 $0x9500;
	s10 =	simm.s32 $0x9E08;
	s16 =	simm.s32 $0x9E90  }
0x6: {  	s17 =	simm.s32 $0x9F18;
	s18 =	simm.s32 $0x9FA0;
	s19 =	simm.s32 $0xA028  }
0x7: {  	s20 =	simm.s32 $0xA0B0;
	s21 =	simm.s32 $0xA138;
	s24 =	simm.s32 $0xA1C0  }
0x8: {  	v0 =	vlaneseq.u32;
	s28 =	simm.s32 $0xA358;
	s29 =	simm.s32 $0xA3E0;
	s30 =	simm.s32 $0xA468  }
0x9: {  	v1 =	vimm.s32 $0x0;
	vm0 =	vcmask $0x300;
	s31 =	simm.s32 $0xA4F0;
	s1 =	sand.u32 $0x1, s1;
	s4 =	sshll.u32 s4, $0x1;
	v0 =	vmul.u32 $0x88, v0  }
0xa: {  	[smem:$0x7FF] =	sst s3;
	v1 =	vsel vm0, $0x3, v1;
	s5 =	sor.u32 s1, s4;
	s1 =	ssub.s32 $0x2, s1  }
0xb: {  	_ =	strace $0x80000047;
	s4 =	sshll.u32 s5, $0x6;
	s6 =	sshrl.u32 s1, $0x1;
	v2 =	vadd.s32 $0x880, v0;
	v3 =	vor.u32 $0x1, v0;
	v4 =	vadd.s32 $0x881, v0  }
0xc: {  	v5 =	vor.u32 $0x2, v0;
	v6 =	vadd.s32 $0x882, v0;
	v7 =	vor.u32 $0x3, v0;
	s7 =	sadd.s32 s4, s0;
	s4 =	sadd.s32 $0xF42A00, s0;
	s25 =	ssub.s32 s1, s6  }
0xd: {  	v8 =	vadd.s32 $0x883, v0;
	v9 =	vor.u32 $0x4, v0;
	v10 =	vadd.s32 $0x884, v0;
	s6 =	simm.s32 $0x0;
	s26 =	sadd.s32 $0x600, s7;
	s0 =	smax.u32 s25, $0x1  }
0xe: {  	v11 =	vor.u32 $0x5, v0;
	v12 =	vadd.s32 $0x885, v0;
	v13 =	vor.u32 $0x6, v0;
	s7 =	sshll.u32 s5, $0xC;
	s25 =	simm.s32 $0xA248;
	[dreg:$0x3] =	wrdreg s26  }
0xf: {  	v14 =	vadd.s32 $0x886, v0;
	v15 =	vor.u32 $0x7, v0;
	v16 =	vadd.s32 $0x887, v0;
	[dreg:$0x4] =	wrdreg s0;
	s26 =	simm.s32 $0xA2D0;
	s0 =	simm.s32 $0xA578  }
.LBB2_1:
0x10: {  	[dreg:$0x5] =	wrdreg s6  }
0x11: {  	s1 =	rddreg [dreg:$0x3]  }
0x12: {  	s5 =	simm.s32 $0x200;
	s8 =	simm.s32 $0x4000;
	s9 =	simm.s32 $0x5  }
0x13: {  	[tilespmem:s3], [sflag:$0x5] =	stream.strided.gather [hbm4b:s1+s5], $0x6400, s8, s5, $0x38;
	[tilespmem:$0xA600] =	vst v63  }
0x14: {  	_ =	swait.ge [sflag:s9], $0x6400  }
0x15: {  	[sflag:s9] =	ssyncset.done $0x0  }
0x16: {  	s11 =	simm.s32 $0x80;
	s12 =	simm.s32 $0x6400;
	[sflag:s9] =	ssyncadd.s32 $0xFFFF9C00  }
0x17: {  	[tilespmem:s12], [sflag:$0x1] =	stream.indirect.gather [hbm4b:s4+s11], $0x20, s3, s11, $0xb8;
	[tilespmem:$0xA600] =	vst v63  }
0x18: {  	s13 =	simm.s32 $0x7400;
	s1 =	simm.s32 $0x0  }
0x19: {  	[tilespmem:s13], [sflag:$0x2] =	stream.indirect.gather [hbm4b:s4+s11], $0x20, s11, s11, $0xb8;
	[tilespmem:$0xA600] =	vst v63  }
.LBB2_2:
0x1a: {  	p0 =	seq.s32 s1, $0x0  }
0x1b: {  	s5 =	simm.s32 @!p0 $0x3  }
0x1c: {  	_ =	swait.ge @!p0 [sflag:s5], $0x400  }
0x1d: {  	[sflag:s5] =	ssyncset.done @!p0 $0x0  }
0x1e: {  	[sflag:s5] =	ssyncadd.s32 @!p0 $0xFFFFFC00  }
0x1f: {  	_ =	swait.ge @!p0 [sflag:s5], $0x400  }
0x20: {  	[sflag:s5] =	ssyncset.done @!p0 $0x0  }
0x21: {  	[sflag:s5] =	ssyncadd.s32 @!p0 $0xFFFFFC00  }
0x22: {  	_ =	swait.ge @!p0 [sflag:s5], $0x400  }
0x23: {  	[sflag:s5] =	ssyncset.done @!p0 $0x0  }
0x24: {  	[sflag:s5] =	ssyncadd.s32 @!p0 $0xFFFFFC00  }
0x25: {  	s8 =	simm.s32 $0x0;
	_ =	swait.ge @!p0 [sflag:s5], $0x400  }
0x26: {  	v17 =	vmov s8;
	[sflag:s5] =	ssyncset.done @!p0 $0x0  }
0x27: {  	v17 =	vshrl.u32 v17, $0x3;
	[sflag:s5] =	ssyncadd.s32 @!p0 $0xFFFFFC00  }
0x28: {  	v17 =	vshll.u32 v17, v1;
	_ =	swait.ge [sflag:s14], $0x1000  }
0x29: {  	v17 =	vbroadcast v17, $0x0;
	[sflag:s14] =	ssyncset.done $0x0  }
0x2a: {  	s8 =	simm.s32 $0x6480;
	[sflag:s14] =	ssyncadd.s32 $0xFFFFF000  }
0x2b: {  	v19 =	vadd.s32 v0, v17;
	v18 =	vld [tilespmem:s8+$0xFFFFFF80]  }
0x2c: {  	s12 =	simm.s32 $0x1;
	v17 =	vadd.s32 v2, v17;
	v20 =	vld [tilespmem:s8+$0xFFFFFF90]  }
0x2d: {  	v21 =	vmov s12  }
0x2e: {  	v21 =	vshrl.u32 v21, $0x3  }
0x2f: {  	v21 =	vshll.u32 v21, v1  }
0x30: {  	[tilespmem:v19+s15+$0x0] =	vst.idx.msk $0xffff, v18;
	v18 =	vbroadcast v21, $0x0  }
0x31: {  	[tilespmem:v17+s15+$0x0] =	vst.idx.msk $0xffff, v20  }
0x32: {  	v17 =	vld [tilespmem:s8+$0xFFFFFFA0];
	v19 =	vadd.s32 v3, v18  }
0x33: {  	s13 =	simm.s32 $0x2;
	v20 =	vld [tilespmem:s8+$0xFFFFFFB0];
	v18 =	vadd.s32 v4, v18  }
0x34: {  	v58 =	vmov s13  }
0x35: {  	v21 =	vshrl.u32 v58, $0x3  }
0x36: {  	v21 =	vshll.u32 v21, v1  }
0x37: {  	[tilespmem:v19+s15+$0x0] =	vst.idx.msk $0xffff, v17;
	v17 =	vbroadcast v21, $0x0  }
0x38: {  	[tilespmem:v18+s15+$0x0] =	vst.idx.msk $0xffff, v20  }
0x39: {  	v18 =	vld [tilespmem:s8+$0xFFFFFFC0];
	v19 =	vadd.s32 v5, v17  }
0x3a: {  	s6 =	simm.s32 $0x3;
	v20 =	vld [tilespmem:s8+$0xFFFFFFD0];
	v17 =	vadd.s32 v6, v17  }
0x3b: {  	v59 =	vmov s6  }
0x3c: {  	v21 =	vshrl.u32 v59, $0x3  }
0x3d: {  	v21 =	vshll.u32 v21, v1  }
0x3e: {  	[tilespmem:v19+s15+$0x0] =	vst.idx.msk $0xffff, v18;
	v18 =	vbroadcast v21, $0x0  }
0x3f: {  	[tilespmem:v17+s15+$0x0] =	vst.idx.msk $0xffff, v20  }
0x40: {  	v17 =	vld [tilespmem:s8+$0xFFFFFFE0];
	v19 =	vadd.s32 v7, v18  }
0x41: {  	s9 =	simm.s32 $0x4;
	v20 =	vld [tilespmem:s8+$0xFFFFFFF0];
	v18 =	vadd.s32 v8, v18  }
0x42: {  	v60 =	vmov s9  }
0x43: {  	v21 =	vshrl.u32 v60, $0x3  }
0x44: {  	v21 =	vshll.u32 v21, v1  }
0x45: {  	[tilespmem:v19+s15+$0x0] =	vst.idx.msk $0xffff, v17;
	v17 =	vbroadcast v21, $0x0  }
0x46: {  	[tilespmem:v18+s15+$0x0] =	vst.idx.msk $0xffff, v20  }
0x47: {  	v18 =	vld [tilespmem:s8+$0x0];
	v19 =	vadd.s32 v9, v17  }
0x48: {  	s11 =	simm.s32 $0x5;
	v20 =	vld [tilespmem:s8+$0x10];
	v17 =	vadd.s32 v10, v17  }
0x49: {  	v61 =	vmov s11  }
0x4a: {  	v21 =	vshrl.u32 v61, $0x3  }
0x4b: {  	v21 =	vshll.u32 v21, v1  }
0x4c: {  	[tilespmem:v19+s15+$0x0] =	vst.idx.msk $0xffff, v18;
	v18 =	vbroadcast v21, $0x0  }
0x4d: {  	[tilespmem:v17+s15+$0x0] =	vst.idx.msk $0xffff, v20  }
0x4e: {  	v17 =	vld [tilespmem:s8+$0x20];
	v19 =	vadd.s32 v11, v18  }
0x4f: {  	s12 =	simm.s32 $0x6;
	v20 =	vld [tilespmem:s8+$0x30];
	v18 =	vadd.s32 v12, v18  }
0x50: {  	v62 =	vmov s12  }
0x51: {  	v21 =	vshrl.u32 v62, $0x3  }
0x52: {  	v21 =	vshll.u32 v21, v1  }
0x53: {  	[tilespmem:v19+s15+$0x0] =	vst.idx.msk $0xffff, v17;
	v17 =	vbroadcast v21, $0x0  }
0x54: {  	[tilespmem:v18+s15+$0x0] =	vst.idx.msk $0xffff, v20  }
0x55: {  	v18 =	vld [tilespmem:s8+$0x40];
	v19 =	vadd.s32 v13, v17  }
0x56: {  	s13 =	simm.s32 $0x7;
	v20 =	vld [tilespmem:s8+$0x50];
	v17 =	vadd.s32 v14, v17  }
0x57: {  	v63 =	vmov s13  }
0x58: {  	v21 =	vshrl.u32 v63, $0x3  }
0x59: {  	v21 =	vshll.u32 v21, v1  }
0x5a: {  	[tilespmem:v19+s15+$0x0] =	vst.idx.msk $0xffff, v18;
	v18 =	vbroadcast v21, $0x0  }
0x5b: {  	s12 =	simm.s32 $0x8;
	[tilespmem:v17+s15+$0x0] =	vst.idx.msk $0xffff, v20  }
0x5c: {  	v17 =	vmov s12;
	v20 =	vld [tilespmem:s8+$0x60];
	v21 =	vadd.s32 v15, v18  }
0x5d: {  	v19 =	vshrl.u32 v17, $0x3  }
0x5e: {  	v17 =	vld [tilespmem:s8+$0x70];
	v22 =	vshll.u32 v19, v1;
	v19 =	vadd.s32 v16, v18;
	_ =	sdelay $0x2  }
0x5f: {  	s9 =	sshll.u32 s1, $0x1;
	s13 =	simm.s32 $0x10;
	v18 =	vbroadcast v22, $0x0;
	[tilespmem:v21+s15+$0x0] =	vst.idx.msk $0xffff, v20  }
.LBB2_3:
0x60: {  	p1 =	slt.u32 s13, $0x78  }
0x61: {  	[tilespmem:v19+s15+$0x0] =	vst.idx.msk $0xffff, v17;
	s8 =	sadd.s32 $0x100, s8;
	s11 =	smov.u32 s13;
	s13 =	sadd.s32 $0x8, s13  }
0x62: {  	v17 =	vld [tilespmem:s8+$0xFFFFFF80];
	v19 =	vadd.s32 v0, v18  }
0x63: {  	s5 =	sadd.s32 $0x1, s12;
	v18 =	vadd.s32 v2, v18;
	v20 =	vld [tilespmem:s8+$0xFFFFFF90]  }
0x64: {  	v21 =	vmov s5  }
0x65: {  	v21 =	vshrl.u32 v21, $0x3  }
0x66: {  	v21 =	vshll.u32 v21, v1  }
0x67: {  	[tilespmem:v19+s15+$0x0] =	vst.idx.msk $0xffff, v17;
	v17 =	vbroadcast v21, $0x0  }
0x68: {  	[tilespmem:v18+s15+$0x0] =	vst.idx.msk $0xffff, v20  }
0x69: {  	v18 =	vld [tilespmem:s8+$0xFFFFFFA0];
	v19 =	vadd.s32 v3, v17  }
0x6a: {  	s5 =	sadd.s32 $0x2, s12;
	v17 =	vadd.s32 v4, v17;
	v20 =	vld [tilespmem:s8+$0xFFFFFFB0]  }
0x6b: {  	v21 =	vmov s5  }
0x6c: {  	v21 =	vshrl.u32 v21, $0x3  }
0x6d: {  	v21 =	vshll.u32 v21, v1  }
0x6e: {  	[tilespmem:v19+s15+$0x0] =	vst.idx.msk $0xffff, v18;
	v18 =	vbroadcast v21, $0x0  }
0x6f: {  	[tilespmem:v17+s15+$0x0] =	vst.idx.msk $0xffff, v20  }
0x70: {  	v17 =	vld [tilespmem:s8+$0xFFFFFFC0];
	v19 =	vadd.s32 v5, v18  }
0x71: {  	s5 =	sadd.s32 $0x3, s12;
	v18 =	vadd.s32 v6, v18;
	v20 =	vld [tilespmem:s8+$0xFFFFFFD0]  }
0x72: {  	v21 =	vmov s5  }
0x73: {  	v21 =	vshrl.u32 v21, $0x3  }
0x74: {  	v21 =	vshll.u32 v21, v1  }
0x75: {  	[tilespmem:v19+s15+$0x0] =	vst.idx.msk $0xffff, v17;
	v17 =	vbroadcast v21, $0x0  }
0x76: {  	[tilespmem:v18+s15+$0x0] =	vst.idx.msk $0xffff, v20  }
0x77: {  	v18 =	vld [tilespmem:s8+$0xFFFFFFE0];
	v19 =	vadd.s32 v7, v17  }
0x78: {  	s5 =	sadd.s32 $0x4, s12;
	v17 =	vadd.s32 v8, v17;
	v20 =	vld [tilespmem:s8+$0xFFFFFFF0]  }
0x79: {  	v21 =	vmov s5  }
0x7a: {  	v21 =	vshrl.u32 v21, $0x3  }
0x7b: {  	v21 =	vshll.u32 v21, v1  }
0x7c: {  	[tilespmem:v19+s15+$0x0] =	vst.idx.msk $0xffff, v18;
	v18 =	vbroadcast v21, $0x0  }
0x7d: {  	[tilespmem:v17+s15+$0x0] =	vst.idx.msk $0xffff, v20  }
0x7e: {  	v17 =	vld [tilespmem:s8+$0x0];
	v19 =	vadd.s32 v9, v18  }
0x7f: {  	s5 =	sadd.s32 $0x5, s12;
	v18 =	vadd.s32 v10, v18;
	v20 =	vld [tilespmem:s8+$0x10]  }
0x80: {  	v21 =	vmov s5  }
0x81: {  	v21 =	vshrl.u32 v21, $0x3  }
0x82: {  	v21 =	vshll.u32 v21, v1  }
0x83: {  	[tilespmem:v19+s15+$0x0] =	vst.idx.msk $0xffff, v17;
	v17 =	vbroadcast v21, $0x0  }
0x84: {  	[tilespmem:v18+s15+$0x0] =	vst.idx.msk $0xffff, v20  }
0x85: {  	v18 =	vld [tilespmem:s8+$0x20];
	v19 =	vadd.s32 v11, v17  }
0x86: {  	s5 =	sadd.s32 $0x6, s12;
	v17 =	vadd.s32 v12, v17;
	v20 =	vld [tilespmem:s8+$0x30]  }
0x87: {  	v21 =	vmov s5  }
0x88: {  	v21 =	vshrl.u32 v21, $0x3  }
0x89: {  	v21 =	vshll.u32 v21, v1  }
0x8a: {  	[tilespmem:v19+s15+$0x0] =	vst.idx.msk $0xffff, v18;
	v18 =	vbroadcast v21, $0x0  }
0x8b: {  	[tilespmem:v17+s15+$0x0] =	vst.idx.msk $0xffff, v20  }
0x8c: {  	v17 =	vld [tilespmem:s8+$0x40];
	v19 =	vadd.s32 v13, v18  }
0x8d: {  	s5 =	sadd.s32 $0x7, s12;
	s12 =	smov.u32 s11;
	v18 =	vadd.s32 v14, v18;
	v20 =	vld [tilespmem:s8+$0x50]  }
0x8e: {  	v21 =	vmov s5  }
0x8f: {  	v21 =	vshrl.u32 v21, $0x3  }
0x90: {  	v21 =	vshll.u32 v21, v1  }
0x91: {  	[tilespmem:v19+s15+$0x0] =	vst.idx.msk $0xffff, v17;
	v19 =	vbroadcast v21, $0x0  }
0x92: {  	[tilespmem:v18+s15+$0x0] =	vst.idx.msk $0xffff, v20  }
0x93: {  	v20 =	vld [tilespmem:s8+$0x60];
	v21 =	vadd.s32 v15, v19  }
.Ltmp0:
0x94: {  	v19 =	vadd.s32 v16, v19;
	v17 =	vld [tilespmem:s8+$0x70];
	(pc) =	sbr.rel @p1 .LBB2_3-.Ltmp0, $4  }
0x95: {  	v18 =	vmov s12  }
0x96: {  	v18 =	vshrl.u32 v18, $0x3  }
0x97: {  	v18 =	vshll.u32 v18, v1  }
0x98: {  	v18 =	vbroadcast v18, $0x0;
	[tilespmem:v21+s15+$0x0] =	vst.idx.msk $0xffff, v20  }
0x99: {  	_ =	sdelay $0x3  }
0x9a: {  	[tilespmem:v19+s15+$0x0] =	vst.idx.msk $0xffff, v17;
	s5 =	sadd.s32 $0x100, s8  }
0x9b: {  	v17 =	vld [tilespmem:s5+$0xFFFFFF80];
	v19 =	vadd.s32 v0, v18  }
0x9c: {  	s6 =	sadd.s32 $0x1, s12;
	v20 =	vld [tilespmem:s5+$0xFFFFFF90];
	v18 =	vadd.s32 v2, v18  }
0x9d: {  	v21 =	vmov s6  }
0x9e: {  	v21 =	vshrl.u32 v21, $0x3  }
0x9f: {  	v21 =	vshll.u32 v21, v1  }
0xa0: {  	[tilespmem:v19+s15+$0x0] =	vst.idx.msk $0xffff, v17;
	v17 =	vbroadcast v21, $0x0  }
0xa1: {  	[tilespmem:v18+s15+$0x0] =	vst.idx.msk $0xffff, v20  }
0xa2: {  	v18 =	vld [tilespmem:s5+$0xFFFFFFA0];
	v19 =	vadd.s32 v3, v17  }
0xa3: {  	s11 =	sadd.s32 $0x2, s12;
	v20 =	vld [tilespmem:s5+$0xFFFFFFB0];
	v17 =	vadd.s32 v4, v17  }
0xa4: {  	v51 =	vmov s11  }
0xa5: {  	v21 =	vshrl.u32 v51, $0x3  }
0xa6: {  	v21 =	vshll.u32 v21, v1  }
0xa7: {  	[tilespmem:v19+s15+$0x0] =	vst.idx.msk $0xffff, v18;
	v18 =	vbroadcast v21, $0x0  }
0xa8: {  	[tilespmem:v17+s15+$0x0] =	vst.idx.msk $0xffff, v20  }
0xa9: {  	v17 =	vld [tilespmem:s5+$0xFFFFFFC0];
	v19 =	vadd.s32 v5, v18  }
0xaa: {  	s13 =	sadd.s32 $0x3, s12;
	v20 =	vld [tilespmem:s5+$0xFFFFFFD0];
	v18 =	vadd.s32 v6, v18  }
0xab: {  	v52 =	vmov s13  }
0xac: {  	v21 =	vshrl.u32 v52, $0x3  }
0xad: {  	v21 =	vshll.u32 v21, v1  }
0xae: {  	[tilespmem:v19+s15+$0x0] =	vst.idx.msk $0xffff, v17;
	v17 =	vbroadcast v21, $0x0  }
0xaf: {  	[tilespmem:v18+s15+$0x0] =	vst.idx.msk $0xffff, v20  }
0xb0: {  	v18 =	vld [tilespmem:s5+$0xFFFFFFE0];
	v19 =	vadd.s32 v7, v17  }
0xb1: {  	s6 =	sadd.s32 $0x4, s12;
	v20 =	vld [tilespmem:s5+$0xFFFFFFF0];
	v17 =	vadd.s32 v8, v17  }
0xb2: {  	v53 =	vmov s6  }
0xb3: {  	v21 =	vshrl.u32 v53, $0x3  }
0xb4: {  	v21 =	vshll.u32 v21, v1  }
0xb5: {  	[tilespmem:v19+s15+$0x0] =	vst.idx.msk $0xffff, v18;
	v18 =	vbroadcast v21, $0x0  }
0xb6: {  	[tilespmem:v17+s15+$0x0] =	vst.idx.msk $0xffff, v20  }
0xb7: {  	v17 =	vld [tilespmem:s5+$0x0];
	v19 =	vadd.s32 v9, v18  }
0xb8: {  	s11 =	sadd.s32 $0x5, s12;
	v20 =	vld [tilespmem:s5+$0x10];
	v18 =	vadd.s32 v10, v18  }
0xb9: {  	v54 =	vmov s11  }
0xba: {  	v21 =	vshrl.u32 v54, $0x3  }
0xbb: {  	v21 =	vshll.u32 v21, v1  }
0xbc: {  	[tilespmem:v19+s15+$0x0] =	vst.idx.msk $0xffff, v17;
	v17 =	vbroadcast v21, $0x0  }
0xbd: {  	[tilespmem:v18+s15+$0x0] =	vst.idx.msk $0xffff, v20  }
0xbe: {  	v18 =	vld [tilespmem:s5+$0x20];
	v19 =	vadd.s32 v11, v17  }
0xbf: {  	s13 =	sadd.s32 $0x6, s12;
	v20 =	vld [tilespmem:s5+$0x30];
	v17 =	vadd.s32 v12, v17  }
0xc0: {  	v55 =	vmov s13  }
0xc1: {  	v21 =	vshrl.u32 v55, $0x3  }
0xc2: {  	v21 =	vshll.u32 v21, v1  }
0xc3: {  	[tilespmem:v19+s15+$0x0] =	vst.idx.msk $0xffff, v18;
	v18 =	vbroadcast v21, $0x0  }
0xc4: {  	[tilespmem:v17+s15+$0x0] =	vst.idx.msk $0xffff, v20  }
0xc5: {  	v17 =	vld [tilespmem:s5+$0x40];
	v19 =	vadd.s32 v13, v18  }
0xc6: {  	s6 =	sadd.s32 $0x7, s12;
	v20 =	vld [tilespmem:s5+$0x50];
	v18 =	vadd.s32 v14, v18  }
0xc7: {  	v56 =	vmov s6  }
0xc8: {  	v21 =	vshrl.u32 v56, $0x3  }
0xc9: {  	v21 =	vshll.u32 v21, v1  }
0xca: {  	[tilespmem:v19+s15+$0x0] =	vst.idx.msk $0xffff, v17;
	v17 =	vbroadcast v21, $0x0  }
0xcb: {  	[tilespmem:v18+s15+$0x0] =	vst.idx.msk $0xffff, v20  }
0xcc: {  	v18 =	vld [tilespmem:s5+$0x60];
	v19 =	vadd.s32 v15, v17  }
0xcd: {  	v20 =	vld [tilespmem:s5+$0x70];
	v17 =	vadd.s32 v16, v17;
	_ =	sdelay $0x1  }
0xce: {  	p1 =	seq.s32 s1, $0x63  }
0xcf: {  	s9 =	sshll.u32 @!p1 s9, $0x7  }
0xd0: {  	s5 =	sadd.s32 @!p1 $0x100, s9;
	[tilespmem:v19+s15+$0x0] =	vst.idx.msk $0xffff, v18  }
0xd1: {  	s8 =	simm.s32 @!p1 $0x80;
	s11 =	simm.s32 @!p1 $0x6400;
	s5 =	sand.u32 @!p1 $0xFF00, s5;
	[tilespmem:v17+s15+$0x0] =	vst.idx.msk $0xffff, v20  }
0xd2: {  	[tilespmem:s11], [sflag:$0x1] =	stream.indirect.gather @!p1 [hbm4b:s4+s8], $0x20, s5, s8, $0xb8;
	[tilespmem:$0xA600] =	vst v63  }
0xd3: {  	s11 =	sshll.u32 s1, $0xB  }
0xd4: {  	s12 =	sshll.u32 s1, $0x12;
	s5 =	sand.u32 $0x800, s11  }
0xd5: {  	s8 =	sand.u32 $0x1F80000, s12;
	s5 =	sor.u32 s5, s7  }
0xd6: {  	s5 =	sor.u32 s8, s5  }
0xd7: {  	s8 =	sshrl.u32 s5, $0x3  }
0xd8: {  	s5 =	sadd.s32 s2, s8  }
0xd9: {  	[hbm4b:s5+s3] =	stream.linear.scatter [tilespmem:s15], [sflag:$0x3], $0x80, $0x38;
	[tilespmem:$0xA600] =	vst v63  }
0xda: {  	s6 =	simm.s32 $0x8488;
	s13 =	sadd.s32 $0x10, s5  }
0xdb: {  	[hbm4b:s13+s3] =	stream.linear.scatter [tilespmem:s6], [sflag:$0x3], $0x80, $0x38;
	[tilespmem:$0xA600] =	vst v63  }
0xdc: {  	s12 =	sadd.s32 $0x20, s5;
	s13 =	simm.s32 $0x8510  }
0xdd: {  	[hbm4b:s12+s3] =	stream.linear.scatter [tilespmem:s13], [sflag:$0x3], $0x80, $0x38;
	[tilespmem:$0xA600] =	vst v63  }
0xde: {  	s12 =	sadd.s32 $0x30, s5;
	s13 =	simm.s32 $0x8598  }
0xdf: {  	[hbm4b:s12+s3] =	stream.linear.scatter [tilespmem:s13], [sflag:$0x3], $0x80, $0x38;
	[tilespmem:$0xA600] =	vst v63  }
0xe0: {  	s12 =	sadd.s32 $0x40, s5;
	s13 =	simm.s32 $0x8620  }
0xe1: {  	[hbm4b:s12+s3] =	stream.linear.scatter [tilespmem:s13], [sflag:$0x3], $0x80, $0x38;
	[tilespmem:$0xA600] =	vst v63  }
0xe2: {  	s12 =	sadd.s32 $0x50, s5;
	s13 =	simm.s32 $0x86A8  }
0xe3: {  	[hbm4b:s12+s3] =	stream.linear.scatter [tilespmem:s13], [sflag:$0x3], $0x80, $0x38;
	[tilespmem:$0xA600] =	vst v63  }
0xe4: {  	s12 =	sadd.s32 $0x60, s5;
	s13 =	simm.s32 $0x8730  }
0xe5: {  	[hbm4b:s12+s3] =	stream.linear.scatter [tilespmem:s13], [sflag:$0x3], $0x80, $0x38;
	[tilespmem:$0xA600] =	vst v63  }
0xe6: {  	s12 =	sadd.s32 $0x70, s5;
	s13 =	simm.s32 $0x87B8  }
0xe7: {  	[hbm4b:s12+s3] =	stream.linear.scatter [tilespmem:s13], [sflag:$0x3], $0x80, $0x38;
	[tilespmem:$0xA600] =	vst v63  }
0xe8: {  	s12 =	sadd.s32 $0x4000, s5;
	s13 =	simm.s32 $0x8840  }
0xe9: {  	[hbm4b:s12+s3] =	stream.linear.scatter [tilespmem:s13], [sflag:$0x3], $0x80, $0x38;
	[tilespmem:$0xA600] =	vst v63  }
0xea: {  	s12 =	sadd.s32 $0x4010, s5;
	s13 =	simm.s32 $0x88C8  }
0xeb: {  	[hbm4b:s12+s3] =	stream.linear.scatter [tilespmem:s13], [sflag:$0x3], $0x80, $0x38;
	[tilespmem:$0xA600] =	vst v63  }
0xec: {  	s12 =	sadd.s32 $0x4020, s5;
	s13 =	simm.s32 $0x8950  }
0xed: {  	[hbm4b:s12+s3] =	stream.linear.scatter [tilespmem:s13], [sflag:$0x3], $0x80, $0x38;
	[tilespmem:$0xA600] =	vst v63  }
0xee: {  	s12 =	sadd.s32 $0x4030, s5;
	s13 =	simm.s32 $0x89D8  }
0xef: {  	[hbm4b:s12+s3] =	stream.linear.scatter [tilespmem:s13], [sflag:$0x3], $0x80, $0x38;
	[tilespmem:$0xA600] =	vst v63  }
0xf0: {  	s12 =	sadd.s32 $0x4040, s5;
	s13 =	simm.s32 $0x8A60  }
0xf1: {  	[hbm4b:s12+s3] =	stream.linear.scatter [tilespmem:s13], [sflag:$0x3], $0x80, $0x38;
	[tilespmem:$0xA600] =	vst v63  }
0xf2: {  	s12 =	sadd.s32 $0x4050, s5;
	s13 =	simm.s32 $0x8AE8  }
0xf3: {  	[hbm4b:s12+s3] =	stream.linear.scatter [tilespmem:s13], [sflag:$0x3], $0x80, $0x38;
	[tilespmem:$0xA600] =	vst v63  }
0xf4: {  	s12 =	sadd.s32 $0x4060, s5;
	s13 =	simm.s32 $0x8B70  }
0xf5: {  	[hbm4b:s12+s3] =	stream.linear.scatter [tilespmem:s13], [sflag:$0x3], $0x80, $0x38;
	[tilespmem:$0xA600] =	vst v63  }
0xf6: {  	s12 =	sadd.s32 $0x4070, s5;
	s13 =	simm.s32 $0x8BF8  }
0xf7: {  	[hbm4b:s12+s3] =	stream.linear.scatter [tilespmem:s13], [sflag:$0x3], $0x80, $0x38;
	[tilespmem:$0xA600] =	vst v63  }
0xf8: {  	s12 =	sadd.s32 $0x8000, s5;
	s13 =	simm.s32 $0x8C80  }
0xf9: {  	[hbm4b:s12+s3] =	stream.linear.scatter [tilespmem:s13], [sflag:$0x3], $0x80, $0x38;
	[tilespmem:$0xA600] =	vst v63  }
0xfa: {  	s12 =	sadd.s32 $0x8010, s5;
	s13 =	simm.s32 $0x8D08  }
0xfb: {  	[hbm4b:s12+s3] =	stream.linear.scatter [tilespmem:s13], [sflag:$0x3], $0x80, $0x38;
	[tilespmem:$0xA600] =	vst v63  }
0xfc: {  	s12 =	sadd.s32 $0x8020, s5;
	s13 =	simm.s32 $0x8D90  }
0xfd: {  	[hbm4b:s12+s3] =	stream.linear.scatter [tilespmem:s13], [sflag:$0x3], $0x80, $0x38;
	[tilespmem:$0xA600] =	vst v63  }
0xfe: {  	s12 =	sadd.s32 $0x8030, s5;
	s13 =	simm.s32 $0x8E18  }
0xff: {  	[hbm4b:s12+s3] =	stream.linear.scatter [tilespmem:s13], [sflag:$0x3], $0x80, $0x38;
	[tilespmem:$0xA600] =	vst v63  }
0x100: {  	s12 =	sadd.s32 $0x8040, s5;
	s13 =	simm.s32 $0x8EA0  }
0x101: {  	[hbm4b:s12+s3] =	stream.linear.scatter [tilespmem:s13], [sflag:$0x3], $0x80, $0x38;
	[tilespmem:$0xA600] =	vst v63  }
0x102: {  	s12 =	sadd.s32 $0x8050, s5;
	s13 =	simm.s32 $0x8F28  }
0x103: {  	[hbm4b:s12+s3] =	stream.linear.scatter [tilespmem:s13], [sflag:$0x3], $0x80, $0x38;
	[tilespmem:$0xA600] =	vst v63  }
0x104: {  	s12 =	sadd.s32 $0x8060, s5;
	s13 =	simm.s32 $0x8FB0  }
0x105: {  	[hbm4b:s12+s3] =	stream.linear.scatter [tilespmem:s13], [sflag:$0x3], $0x80, $0x38;
	[tilespmem:$0xA600] =	vst v63  }
0x106: {  	s12 =	sadd.s32 $0x8070, s5;
	s13 =	simm.s32 $0x9038  }
0x107: {  	[hbm4b:s12+s3] =	stream.linear.scatter [tilespmem:s13], [sflag:$0x3], $0x80, $0x38;
	[tilespmem:$0xA600] =	vst v63  }
0x108: {  	s12 =	sadd.s32 $0xC000, s5;
	s13 =	simm.s32 $0x90C0  }
0x109: {  	[hbm4b:s12+s3] =	stream.linear.scatter [tilespmem:s13], [sflag:$0x3], $0x80, $0x38;
	[tilespmem:$0xA600] =	vst v63  }
0x10a: {  	s12 =	sadd.s32 $0xC010, s5;
	s13 =	simm.s32 $0x9148  }
0x10b: {  	[hbm4b:s12+s3] =	stream.linear.scatter [tilespmem:s13], [sflag:$0x3], $0x80, $0x38;
	[tilespmem:$0xA600] =	vst v63  }
0x10c: {  	s12 =	sadd.s32 $0xC020, s5;
	s13 =	simm.s32 $0x91D0  }
0x10d: {  	[hbm4b:s12+s3] =	stream.linear.scatter [tilespmem:s13], [sflag:$0x3], $0x80, $0x38;
	[tilespmem:$0xA600] =	vst v63  }
0x10e: {  	s12 =	sadd.s32 $0xC030, s5;
	s13 =	simm.s32 $0x9258  }
0x10f: {  	[hbm4b:s12+s3] =	stream.linear.scatter [tilespmem:s13], [sflag:$0x3], $0x80, $0x38;
	[tilespmem:$0xA600] =	vst v63  }
0x110: {  	s12 =	sadd.s32 $0xC040, s5;
	s13 =	simm.s32 $0x92E0  }
0x111: {  	[hbm4b:s12+s3] =	stream.linear.scatter [tilespmem:s13], [sflag:$0x3], $0x80, $0x38;
	[tilespmem:$0xA600] =	vst v63  }
0x112: {  	s12 =	sadd.s32 $0xC050, s5;
	s13 =	simm.s32 $0x9368  }
0x113: {  	[hbm4b:s12+s3] =	stream.linear.scatter [tilespmem:s13], [sflag:$0x3], $0x80, $0x38;
	[tilespmem:$0xA600] =	vst v63  }
0x114: {  	s12 =	sadd.s32 $0xC060, s5;
	s13 =	simm.s32 $0x93F0  }
0x115: {  	[hbm4b:s12+s3] =	stream.linear.scatter [tilespmem:s13], [sflag:$0x3], $0x80, $0x38;
	[tilespmem:$0xA600] =	vst v63  }
0x116: {  	s11 =	simm.s32 $0x9478;
	s5 =	sadd.s32 $0xC070, s5  }
0x117: {  	[hbm4b:s5+s3] =	stream.linear.scatter [tilespmem:s11], [sflag:$0x3], $0x80, $0x38;
	[tilespmem:$0xA600] =	vst v63  }
0x118: {  	s5 =	simm.s32 @!p0 $0x4  }
0x119: {  	_ =	swait.ge @!p0 [sflag:s5], $0x400  }
0x11a: {  	[sflag:s5] =	ssyncset.done @!p0 $0x0  }
0x11b: {  	[sflag:s5] =	ssyncadd.s32 @!p0 $0xFFFFFC00  }
0x11c: {  	_ =	swait.ge @!p0 [sflag:s5], $0x400  }
0x11d: {  	[sflag:s5] =	ssyncset.done @!p0 $0x0  }
0x11e: {  	[sflag:s5] =	ssyncadd.s32 @!p0 $0xFFFFFC00  }
0x11f: {  	_ =	swait.ge @!p0 [sflag:s5], $0x400  }
0x120: {  	[sflag:s5] =	ssyncset.done @!p0 $0x0  }
0x121: {  	[sflag:s5] =	ssyncadd.s32 @!p0 $0xFFFFFC00  }
0x122: {  	s12 =	simm.s32 $0x0;
	_ =	swait.ge @!p0 [sflag:s5], $0x400  }
0x123: {  	v17 =	vmov s12;
	[sflag:s5] =	ssyncset.done @!p0 $0x0  }
0x124: {  	v17 =	vshrl.u32 v17, $0x3;
	[sflag:s5] =	ssyncadd.s32 @!p0 $0xFFFFFC00  }
0x125: {  	v17 =	vshll.u32 v17, v1;
	_ =	swait.ge [sflag:s22], $0x1000  }
0x126: {  	v17 =	vbroadcast v17, $0x0;
	[sflag:s22] =	ssyncset.done $0x0  }
0x127: {  	s12 =	simm.s32 $0x7480;
	[sflag:s22] =	ssyncadd.s32 $0xFFFFF000  }
0x128: {  	v19 =	vadd.s32 v0, v17;
	v18 =	vld [tilespmem:s12+$0xFFFFFF80]  }
0x129: {  	s13 =	simm.s32 $0x1;
	v17 =	vadd.s32 v2, v17;
	v20 =	vld [tilespmem:s12+$0xFFFFFF90]  }
0x12a: {  	v57 =	vmov s13  }
0x12b: {  	v21 =	vshrl.u32 v57, $0x3  }
0x12c: {  	v21 =	vshll.u32 v21, v1  }
0x12d: {  	[tilespmem:v19+s23+$0x0] =	vst.idx.msk $0xffff, v18;
	v18 =	vbroadcast v21, $0x0  }
0x12e: {  	[tilespmem:v17+s23+$0x0] =	vst.idx.msk $0xffff, v20  }
0x12f: {  	v17 =	vld [tilespmem:s12+$0xFFFFFFA0];
	v19 =	vadd.s32 v3, v18  }
0x130: {  	s6 =	simm.s32 $0x2;
	v20 =	vld [tilespmem:s12+$0xFFFFFFB0];
	v18 =	vadd.s32 v4, v18  }
0x131: {  	v58 =	vmov s6  }
0x132: {  	v21 =	vshrl.u32 v58, $0x3  }
0x133: {  	v21 =	vshll.u32 v21, v1  }
0x134: {  	[tilespmem:v19+s23+$0x0] =	vst.idx.msk $0xffff, v17;
	v17 =	vbroadcast v21, $0x0  }
0x135: {  	[tilespmem:v18+s23+$0x0] =	vst.idx.msk $0xffff, v20  }
0x136: {  	v18 =	vld [tilespmem:s12+$0xFFFFFFC0];
	v19 =	vadd.s32 v5, v17  }
0x137: {  	s11 =	simm.s32 $0x3;
	v20 =	vld [tilespmem:s12+$0xFFFFFFD0];
	v17 =	vadd.s32 v6, v17  }
0x138: {  	v59 =	vmov s11  }
0x139: {  	v21 =	vshrl.u32 v59, $0x3  }
0x13a: {  	v21 =	vshll.u32 v21, v1  }
0x13b: {  	[tilespmem:v19+s23+$0x0] =	vst.idx.msk $0xffff, v18;
	v18 =	vbroadcast v21, $0x0  }
0x13c: {  	[tilespmem:v17+s23+$0x0] =	vst.idx.msk $0xffff, v20  }
0x13d: {  	v17 =	vld [tilespmem:s12+$0xFFFFFFE0];
	v19 =	vadd.s32 v7, v18  }
0x13e: {  	s13 =	simm.s32 $0x4;
	v20 =	vld [tilespmem:s12+$0xFFFFFFF0];
	v18 =	vadd.s32 v8, v18  }
0x13f: {  	v60 =	vmov s13  }
0x140: {  	v21 =	vshrl.u32 v60, $0x3  }
0x141: {  	v21 =	vshll.u32 v21, v1  }
0x142: {  	[tilespmem:v19+s23+$0x0] =	vst.idx.msk $0xffff, v17;
	v17 =	vbroadcast v21, $0x0  }
0x143: {  	[tilespmem:v18+s23+$0x0] =	vst.idx.msk $0xffff, v20  }
0x144: {  	v18 =	vld [tilespmem:s12+$0x0];
	v19 =	vadd.s32 v9, v17  }
0x145: {  	s6 =	simm.s32 $0x5;
	v20 =	vld [tilespmem:s12+$0x10];
	v17 =	vadd.s32 v10, v17  }
0x146: {  	v61 =	vmov s6  }
0x147: {  	v21 =	vshrl.u32 v61, $0x3  }
0x148: {  	v21 =	vshll.u32 v21, v1  }
0x149: {  	[tilespmem:v19+s23+$0x0] =	vst.idx.msk $0xffff, v18;
	v18 =	vbroadcast v21, $0x0  }
0x14a: {  	[tilespmem:v17+s23+$0x0] =	vst.idx.msk $0xffff, v20  }
0x14b: {  	v17 =	vld [tilespmem:s12+$0x20];
	v19 =	vadd.s32 v11, v18  }
0x14c: {  	s11 =	simm.s32 $0x6;
	v20 =	vld [tilespmem:s12+$0x30];
	v18 =	vadd.s32 v12, v18  }
0x14d: {  	v62 =	vmov s11  }
0x14e: {  	v21 =	vshrl.u32 v62, $0x3  }
0x14f: {  	v21 =	vshll.u32 v21, v1  }
0x150: {  	[tilespmem:v19+s23+$0x0] =	vst.idx.msk $0xffff, v17;
	v17 =	vbroadcast v21, $0x0  }
0x151: {  	[tilespmem:v18+s23+$0x0] =	vst.idx.msk $0xffff, v20  }
0x152: {  	v18 =	vld [tilespmem:s12+$0x40];
	v19 =	vadd.s32 v13, v17  }
0x153: {  	s13 =	simm.s32 $0x7;
	v20 =	vld [tilespmem:s12+$0x50];
	v17 =	vadd.s32 v14, v17  }
0x154: {  	v63 =	vmov s13  }
0x155: {  	v21 =	vshrl.u32 v63, $0x3  }
0x156: {  	v21 =	vshll.u32 v21, v1  }
0x157: {  	[tilespmem:v19+s23+$0x0] =	vst.idx.msk $0xffff, v18;
	v19 =	vbroadcast v21, $0x0  }
0x158: {  	[tilespmem:v17+s23+$0x0] =	vst.idx.msk $0xffff, v20  }
0x159: {  	v20 =	vld [tilespmem:s12+$0x60];
	v21 =	vadd.s32 v15, v19  }
0x15a: {  	s13 =	simm.s32 $0x8  }
0x15b: {  	v17 =	vmov s13;
	v18 =	vld [tilespmem:s12+$0x70];
	v19 =	vadd.s32 v16, v19  }
0x15c: {  	v17 =	vshrl.u32 v17, $0x3  }
0x15d: {  	v17 =	vshll.u32 v17, v1  }
0x15e: {  	s11 =	simm.s32 $0x10;
	v17 =	vbroadcast v17, $0x0;
	[tilespmem:v21+s23+$0x0] =	vst.idx.msk $0xffff, v20  }
.LBB2_5:
0x15f: {  	p0 =	slt.u32 s11, $0x78  }
0x160: {  	[tilespmem:v19+s23+$0x0] =	vst.idx.msk $0xffff, v18;
	s12 =	sadd.s32 $0x100, s12;
	s5 =	smov.u32 s11;
	s11 =	sadd.s32 $0x8, s11  }
0x161: {  	v18 =	vld [tilespmem:s12+$0xFFFFFF80];
	v19 =	vadd.s32 v0, v17  }
0x162: {  	s6 =	sadd.s32 $0x1, s13;
	v17 =	vadd.s32 v2, v17;
	v20 =	vld [tilespmem:s12+$0xFFFFFF90]  }
0x163: {  	v21 =	vmov s6  }
0x164: {  	v21 =	vshrl.u32 v21, $0x3  }
0x165: {  	v21 =	vshll.u32 v21, v1  }
0x166: {  	[tilespmem:v19+s23+$0x0] =	vst.idx.msk $0xffff, v18;
	v18 =	vbroadcast v21, $0x0  }
0x167: {  	[tilespmem:v17+s23+$0x0] =	vst.idx.msk $0xffff, v20  }
0x168: {  	v17 =	vld [tilespmem:s12+$0xFFFFFFA0];
	v19 =	vadd.s32 v3, v18  }
0x169: {  	s6 =	sadd.s32 $0x2, s13;
	v18 =	vadd.s32 v4, v18;
	v20 =	vld [tilespmem:s12+$0xFFFFFFB0]  }
0x16a: {  	v21 =	vmov s6  }
0x16b: {  	v21 =	vshrl.u32 v21, $0x3  }
0x16c: {  	v21 =	vshll.u32 v21, v1  }
0x16d: {  	[tilespmem:v19+s23+$0x0] =	vst.idx.msk $0xffff, v17;
	v17 =	vbroadcast v21, $0x0  }
0x16e: {  	[tilespmem:v18+s23+$0x0] =	vst.idx.msk $0xffff, v20  }
0x16f: {  	v18 =	vld [tilespmem:s12+$0xFFFFFFC0];
	v19 =	vadd.s32 v5, v17  }
0x170: {  	s6 =	sadd.s32 $0x3, s13;
	v17 =	vadd.s32 v6, v17;
	v20 =	vld [tilespmem:s12+$0xFFFFFFD0]  }
0x171: {  	v21 =	vmov s6  }
0x172: {  	v21 =	vshrl.u32 v21, $0x3  }
0x173: {  	v21 =	vshll.u32 v21, v1  }
0x174: {  	[tilespmem:v19+s23+$0x0] =	vst.idx.msk $0xffff, v18;
	v18 =	vbroadcast v21, $0x0  }
0x175: {  	[tilespmem:v17+s23+$0x0] =	vst.idx.msk $0xffff, v20  }
0x176: {  	v17 =	vld [tilespmem:s12+$0xFFFFFFE0];
	v19 =	vadd.s32 v7, v18  }
0x177: {  	s6 =	sadd.s32 $0x4, s13;
	v18 =	vadd.s32 v8, v18;
	v20 =	vld [tilespmem:s12+$0xFFFFFFF0]  }
0x178: {  	v21 =	vmov s6  }
0x179: {  	v21 =	vshrl.u32 v21, $0x3  }
0x17a: {  	v21 =	vshll.u32 v21, v1  }
0x17b: {  	[tilespmem:v19+s23+$0x0] =	vst.idx.msk $0xffff, v17;
	v17 =	vbroadcast v21, $0x0  }
0x17c: {  	[tilespmem:v18+s23+$0x0] =	vst.idx.msk $0xffff, v20  }
0x17d: {  	v18 =	vld [tilespmem:s12+$0x0];
	v19 =	vadd.s32 v9, v17  }
0x17e: {  	s6 =	sadd.s32 $0x5, s13;
	v17 =	vadd.s32 v10, v17;
	v20 =	vld [tilespmem:s12+$0x10]  }
0x17f: {  	v21 =	vmov s6  }
0x180: {  	v21 =	vshrl.u32 v21, $0x3  }
0x181: {  	v21 =	vshll.u32 v21, v1  }
0x182: {  	[tilespmem:v19+s23+$0x0] =	vst.idx.msk $0xffff, v18;
	v18 =	vbroadcast v21, $0x0  }
0x183: {  	[tilespmem:v17+s23+$0x0] =	vst.idx.msk $0xffff, v20  }
0x184: {  	v17 =	vld [tilespmem:s12+$0x20];
	v19 =	vadd.s32 v11, v18  }
0x185: {  	s6 =	sadd.s32 $0x6, s13;
	v18 =	vadd.s32 v12, v18;
	v20 =	vld [tilespmem:s12+$0x30]  }
0x186: {  	v21 =	vmov s6  }
0x187: {  	v21 =	vshrl.u32 v21, $0x3  }
0x188: {  	v21 =	vshll.u32 v21, v1  }
0x189: {  	[tilespmem:v19+s23+$0x0] =	vst.idx.msk $0xffff, v17;
	v17 =	vbroadcast v21, $0x0  }
0x18a: {  	[tilespmem:v18+s23+$0x0] =	vst.idx.msk $0xffff, v20  }
0x18b: {  	v18 =	vld [tilespmem:s12+$0x40];
	v19 =	vadd.s32 v13, v17  }
0x18c: {  	s6 =	sadd.s32 $0x7, s13;
	s13 =	smov.u32 s5;
	v17 =	vadd.s32 v14, v17;
	v20 =	vld [tilespmem:s12+$0x50]  }
0x18d: {  	v21 =	vmov s6  }
0x18e: {  	v21 =	vshrl.u32 v21, $0x3  }
0x18f: {  	v21 =	vshll.u32 v21, v1  }
0x190: {  	[tilespmem:v19+s23+$0x0] =	vst.idx.msk $0xffff, v18;
	v19 =	vbroadcast v21, $0x0  }
0x191: {  	[tilespmem:v17+s23+$0x0] =	vst.idx.msk $0xffff, v20  }
0x192: {  	v20 =	vld [tilespmem:s12+$0x60];
	v21 =	vadd.s32 v15, v19  }
.Ltmp1:
0x193: {  	v19 =	vadd.s32 v16, v19;
	v18 =	vld [tilespmem:s12+$0x70];
	(pc) =	sbr.rel @p0 .LBB2_5-.Ltmp1, $4  }
0x194: {  	v17 =	vmov s13  }
0x195: {  	v17 =	vshrl.u32 v17, $0x3  }
0x196: {  	v17 =	vshll.u32 v17, v1  }
0x197: {  	v17 =	vbroadcast v17, $0x0;
	[tilespmem:v21+s23+$0x0] =	vst.idx.msk $0xffff, v20  }
0x198: {  	_ =	sdelay $0x3  }
0x199: {  	[tilespmem:v19+s23+$0x0] =	vst.idx.msk $0xffff, v18;
	s5 =	sadd.s32 $0x100, s12  }
0x19a: {  	v18 =	vld [tilespmem:s5+$0xFFFFFF80];
	v19 =	vadd.s32 v0, v17  }
0x19b: {  	s6 =	sadd.s32 $0x1, s13;
	v20 =	vld [tilespmem:s5+$0xFFFFFF90];
	v17 =	vadd.s32 v2, v17  }
0x19c: {  	v21 =	vmov s6  }
0x19d: {  	v21 =	vshrl.u32 v21, $0x3  }
0x19e: {  	v21 =	vshll.u32 v21, v1  }
0x19f: {  	[tilespmem:v19+s23+$0x0] =	vst.idx.msk $0xffff, v18;
	v18 =	vbroadcast v21, $0x0  }
0x1a0: {  	[tilespmem:v17+s23+$0x0] =	vst.idx.msk $0xffff, v20  }
0x1a1: {  	v17 =	vld [tilespmem:s5+$0xFFFFFFA0];
	v19 =	vadd.s32 v3, v18  }
0x1a2: {  	s11 =	sadd.s32 $0x2, s13;
	v20 =	vld [tilespmem:s5+$0xFFFFFFB0];
	v18 =	vadd.s32 v4, v18  }
0x1a3: {  	v58 =	vmov s11  }
0x1a4: {  	v21 =	vshrl.u32 v58, $0x3  }
0x1a5: {  	v21 =	vshll.u32 v21, v1  }
0x1a6: {  	[tilespmem:v19+s23+$0x0] =	vst.idx.msk $0xffff, v17;
	v17 =	vbroadcast v21, $0x0  }
0x1a7: {  	[tilespmem:v18+s23+$0x0] =	vst.idx.msk $0xffff, v20  }
0x1a8: {  	v18 =	vld [tilespmem:s5+$0xFFFFFFC0];
	v19 =	vadd.s32 v5, v17  }
0x1a9: {  	s12 =	sadd.s32 $0x3, s13;
	v20 =	vld [tilespmem:s5+$0xFFFFFFD0];
	v17 =	vadd.s32 v6, v17  }
0x1aa: {  	v59 =	vmov s12  }
0x1ab: {  	v21 =	vshrl.u32 v59, $0x3  }
0x1ac: {  	v21 =	vshll.u32 v21, v1  }
0x1ad: {  	[tilespmem:v19+s23+$0x0] =	vst.idx.msk $0xffff, v18;
	v18 =	vbroadcast v21, $0x0  }
0x1ae: {  	[tilespmem:v17+s23+$0x0] =	vst.idx.msk $0xffff, v20  }
0x1af: {  	v17 =	vld [tilespmem:s5+$0xFFFFFFE0];
	v19 =	vadd.s32 v7, v18  }
0x1b0: {  	s11 =	sadd.s32 $0x4, s13;
	v20 =	vld [tilespmem:s5+$0xFFFFFFF0];
	v18 =	vadd.s32 v8, v18  }
0x1b1: {  	v60 =	vmov s11  }
0x1b2: {  	v21 =	vshrl.u32 v60, $0x3  }
0x1b3: {  	v21 =	vshll.u32 v21, v1  }
0x1b4: {  	[tilespmem:v19+s23+$0x0] =	vst.idx.msk $0xffff, v17;
	v17 =	vbroadcast v21, $0x0  }
0x1b5: {  	[tilespmem:v18+s23+$0x0] =	vst.idx.msk $0xffff, v20  }
0x1b6: {  	v18 =	vld [tilespmem:s5+$0x0];
	v19 =	vadd.s32 v9, v17  }
0x1b7: {  	s12 =	sadd.s32 $0x5, s13;
	v20 =	vld [tilespmem:s5+$0x10];
	v17 =	vadd.s32 v10, v17  }
0x1b8: {  	v61 =	vmov s12  }
0x1b9: {  	v21 =	vshrl.u32 v61, $0x3  }
0x1ba: {  	v21 =	vshll.u32 v21, v1  }
0x1bb: {  	[tilespmem:v19+s23+$0x0] =	vst.idx.msk $0xffff, v18;
	v18 =	vbroadcast v21, $0x0  }
0x1bc: {  	[tilespmem:v17+s23+$0x0] =	vst.idx.msk $0xffff, v20  }
0x1bd: {  	v17 =	vld [tilespmem:s5+$0x20];
	v19 =	vadd.s32 v11, v18  }
0x1be: {  	s11 =	sadd.s32 $0x6, s13;
	v20 =	vld [tilespmem:s5+$0x30];
	v18 =	vadd.s32 v12, v18  }
0x1bf: {  	v62 =	vmov s11  }
0x1c0: {  	v21 =	vshrl.u32 v62, $0x3  }
0x1c1: {  	v21 =	vshll.u32 v21, v1  }
0x1c2: {  	[tilespmem:v19+s23+$0x0] =	vst.idx.msk $0xffff, v17;
	v17 =	vbroadcast v21, $0x0  }
0x1c3: {  	[tilespmem:v18+s23+$0x0] =	vst.idx.msk $0xffff, v20  }
0x1c4: {  	v18 =	vld [tilespmem:s5+$0x40];
	v19 =	vadd.s32 v13, v17  }
0x1c5: {  	s12 =	sadd.s32 $0x7, s13;
	v20 =	vld [tilespmem:s5+$0x50];
	v17 =	vadd.s32 v14, v17  }
0x1c6: {  	v63 =	vmov s12  }
0x1c7: {  	v21 =	vshrl.u32 v63, $0x3  }
0x1c8: {  	v21 =	vshll.u32 v21, v1  }
0x1c9: {  	[tilespmem:v19+s23+$0x0] =	vst.idx.msk $0xffff, v18;
	v18 =	vbroadcast v21, $0x0  }
0x1ca: {  	[tilespmem:v17+s23+$0x0] =	vst.idx.msk $0xffff, v20  }
0x1cb: {  	v17 =	vld [tilespmem:s5+$0x60];
	v19 =	vadd.s32 v15, v18  }
0x1cc: {  	v20 =	vld [tilespmem:s5+$0x70];
	v18 =	vadd.s32 v16, v18;
	_ =	sdelay $0x3  }
0x1cd: {  	s5 =	sadd.s32 @!p1 $0x180, s9;
	[tilespmem:v19+s23+$0x0] =	vst.idx.msk $0xffff, v17  }
0x1ce: {  	s6 =	simm.s32 @!p1 $0x80;
	s9 =	simm.s32 @!p1 $0x7400;
	s5 =	sand.u32 @!p1 $0xFF80, s5;
	[tilespmem:v18+s23+$0x0] =	vst.idx.msk $0xffff, v20  }
0x1cf: {  	[tilespmem:s9], [sflag:$0x2] =	stream.indirect.gather @!p1 [hbm4b:s4+s6], $0x20, s5, s6, $0xb8;
	[tilespmem:$0xA600] =	vst v63  }
0x1d0: {  	s5 =	sadd.s32 s8, s2  }
0x1d1: {  	s13 =	sadd.s32 $0x80, s5  }
0x1d2: {  	[hbm4b:s13+s3] =	stream.linear.scatter [tilespmem:s23], [sflag:$0x4], $0x80, $0x38;
	[tilespmem:$0xA600] =	vst v63  }
0x1d3: {  	s11 =	simm.s32 $0x9588;
	s9 =	sadd.s32 $0x90, s5  }
0x1d4: {  	[hbm4b:s9+s3] =	stream.linear.scatter [tilespmem:s11], [sflag:$0x4], $0x80, $0x38;
	[tilespmem:$0xA600] =	vst v63  }
0x1d5: {  	s12 =	sadd.s32 $0xA0, s5;
	s13 =	simm.s32 $0x9610  }
0x1d6: {  	[hbm4b:s12+s3] =	stream.linear.scatter [tilespmem:s13], [sflag:$0x4], $0x80, $0x38;
	[tilespmem:$0xA600] =	vst v63  }
0x1d7: {  	s9 =	sadd.s32 $0xB0, s5;
	s11 =	simm.s32 $0x9698  }
0x1d8: {  	[hbm4b:s9+s3] =	stream.linear.scatter [tilespmem:s11], [sflag:$0x4], $0x80, $0x38;
	[tilespmem:$0xA600] =	vst v63  }
0x1d9: {  	s12 =	sadd.s32 $0xC0, s5;
	s13 =	simm.s32 $0x9720  }
0x1da: {  	[hbm4b:s12+s3] =	stream.linear.scatter [tilespmem:s13], [sflag:$0x4], $0x80, $0x38;
	[tilespmem:$0xA600] =	vst v63  }
0x1db: {  	s9 =	sadd.s32 $0xD0, s5;
	s11 =	simm.s32 $0x97A8  }
0x1dc: {  	[hbm4b:s9+s3] =	stream.linear.scatter [tilespmem:s11], [sflag:$0x4], $0x80, $0x38;
	[tilespmem:$0xA600] =	vst v63  }
0x1dd: {  	s12 =	sadd.s32 $0xE0, s5;
	s13 =	simm.s32 $0x9830  }
0x1de: {  	[hbm4b:s12+s3] =	stream.linear.scatter [tilespmem:s13], [sflag:$0x4], $0x80, $0x38;
	[tilespmem:$0xA600] =	vst v63  }
0x1df: {  	s5 =	sadd.s32 $0xF0, s5;
	s11 =	simm.s32 $0x98B8;
	s12 =	sor.u32 $0x4080, s8  }
0x1e0: {  	[hbm4b:s5+s3] =	stream.linear.scatter [tilespmem:s11], [sflag:$0x4], $0x80, $0x38;
	[tilespmem:$0xA600] =	vst v63  }
0x1e1: {  	s13 =	simm.s32 $0x9940;
	s5 =	sadd.s32 s2, s12  }
0x1e2: {  	[hbm4b:s5+s3] =	stream.linear.scatter [tilespmem:s13], [sflag:$0x4], $0x80, $0x38;
	[tilespmem:$0xA600] =	vst v63  }
0x1e3: {  	s11 =	simm.s32 $0x99C8;
	s9 =	sadd.s32 $0x10, s5  }
0x1e4: {  	[hbm4b:s9+s3] =	stream.linear.scatter [tilespmem:s11], [sflag:$0x4], $0x80, $0x38;
	[tilespmem:$0xA600] =	vst v63  }
0x1e5: {  	s12 =	sadd.s32 $0x20, s5;
	s13 =	simm.s32 $0x9A50  }
0x1e6: {  	[hbm4b:s12+s3] =	stream.linear.scatter [tilespmem:s13], [sflag:$0x4], $0x80, $0x38;
	[tilespmem:$0xA600] =	vst v63  }
0x1e7: {  	s9 =	sadd.s32 $0x30, s5;
	s11 =	simm.s32 $0x9AD8  }
0x1e8: {  	[hbm4b:s9+s3] =	stream.linear.scatter [tilespmem:s11], [sflag:$0x4], $0x80, $0x38;
	[tilespmem:$0xA600] =	vst v63  }
0x1e9: {  	s12 =	sadd.s32 $0x40, s5;
	s13 =	simm.s32 $0x9B60  }
0x1ea: {  	[hbm4b:s12+s3] =	stream.linear.scatter [tilespmem:s13], [sflag:$0x4], $0x80, $0x38;
	[tilespmem:$0xA600] =	vst v63  }
0x1eb: {  	s9 =	sadd.s32 $0x50, s5;
	s11 =	simm.s32 $0x9BE8  }
0x1ec: {  	[hbm4b:s9+s3] =	stream.linear.scatter [tilespmem:s11], [sflag:$0x4], $0x80, $0x38;
	[tilespmem:$0xA600] =	vst v63  }
0x1ed: {  	s12 =	sadd.s32 $0x60, s5;
	s13 =	simm.s32 $0x9C70  }
0x1ee: {  	[hbm4b:s12+s3] =	stream.linear.scatter [tilespmem:s13], [sflag:$0x4], $0x80, $0x38;
	[tilespmem:$0xA600] =	vst v63  }
0x1ef: {  	s5 =	sadd.s32 $0x70, s5;
	s11 =	simm.s32 $0x9CF8;
	s12 =	sor.u32 $0x8080, s8  }
0x1f0: {  	[hbm4b:s5+s3] =	stream.linear.scatter [tilespmem:s11], [sflag:$0x4], $0x80, $0x38;
	[tilespmem:$0xA600] =	vst v63  }
0x1f1: {  	s13 =	simm.s32 $0x9D80;
	s5 =	sadd.s32 s2, s12  }
0x1f2: {  	[hbm4b:s5+s3] =	stream.linear.scatter [tilespmem:s13], [sflag:$0x4], $0x80, $0x38;
	[tilespmem:$0xA600] =	vst v63  }
0x1f3: {  	s9 =	sadd.s32 $0x10, s5  }
0x1f4: {  	[hbm4b:s9+s3] =	stream.linear.scatter [tilespmem:s10], [sflag:$0x4], $0x80, $0x38;
	[tilespmem:$0xA600] =	vst v63  }
0x1f5: {  	s11 =	sadd.s32 $0x20, s5  }
0x1f6: {  	[hbm4b:s11+s3] =	stream.linear.scatter [tilespmem:s16], [sflag:$0x4], $0x80, $0x38;
	[tilespmem:$0xA600] =	vst v63  }
0x1f7: {  	s12 =	sadd.s32 $0x30, s5  }
0x1f8: {  	[hbm4b:s12+s3] =	stream.linear.scatter [tilespmem:s17], [sflag:$0x4], $0x80, $0x38;
	[tilespmem:$0xA600] =	vst v63  }
0x1f9: {  	s13 =	sadd.s32 $0x40, s5  }
0x1fa: {  	[hbm4b:s13+s3] =	stream.linear.scatter [tilespmem:s18], [sflag:$0x4], $0x80, $0x38;
	[tilespmem:$0xA600] =	vst v63  }
0x1fb: {  	s9 =	sadd.s32 $0x50, s5  }
0x1fc: {  	[hbm4b:s9+s3] =	stream.linear.scatter [tilespmem:s19], [sflag:$0x4], $0x80, $0x38;
	[tilespmem:$0xA600] =	vst v63  }
0x1fd: {  	s11 =	sadd.s32 $0x60, s5  }
0x1fe: {  	[hbm4b:s11+s3] =	stream.linear.scatter [tilespmem:s20], [sflag:$0x4], $0x80, $0x38;
	[tilespmem:$0xA600] =	vst v63  }
0x1ff: {  	s5 =	sadd.s32 $0x70, s5;
	s12 =	sor.u32 $0xC080, s8  }
0x200: {  	[hbm4b:s5+s3] =	stream.linear.scatter [tilespmem:s21], [sflag:$0x4], $0x80, $0x38;
	[tilespmem:$0xA600] =	vst v63  }
0x201: {  	s5 =	sadd.s32 s2, s12  }
0x202: {  	[hbm4b:s5+s3] =	stream.linear.scatter [tilespmem:s24], [sflag:$0x4], $0x80, $0x38;
	[tilespmem:$0xA600] =	vst v63  }
0x203: {  	s13 =	sadd.s32 $0x10, s5  }
0x204: {  	[hbm4b:s13+s3] =	stream.linear.scatter [tilespmem:s25], [sflag:$0x4], $0x80, $0x38;
	[tilespmem:$0xA600] =	vst v63  }
0x205: {  	s8 =	sadd.s32 $0x20, s5  }
0x206: {  	[hbm4b:s8+s3] =	stream.linear.scatter [tilespmem:s26], [sflag:$0x4], $0x80, $0x38;
	[tilespmem:$0xA600] =	vst v63  }
0x207: {  	s9 =	sadd.s32 $0x30, s5  }
0x208: {  	[hbm4b:s9+s3] =	stream.linear.scatter [tilespmem:s28], [sflag:$0x4], $0x80, $0x38;
	[tilespmem:$0xA600] =	vst v63  }
0x209: {  	s1 =	sadd.s32 $0x1, s1;
	s11 =	sadd.s32 $0x40, s5  }
0x20a: {  	[hbm4b:s11+s3] =	stream.linear.scatter [tilespmem:s29], [sflag:$0x4], $0x80, $0x38;
	[tilespmem:$0xA600] =	vst v63  }
0x20b: {  	p0 =	sne.s32 s1, $0x64;
	s12 =	sadd.s32 $0x50, s5  }
0x20c: {  	[hbm4b:s12+s3] =	stream.linear.scatter [tilespmem:s30], [sflag:$0x4], $0x80, $0x38;
	[tilespmem:$0xA600] =	vst v63  }
.Ltmp2:
0x20d: {  	_ = 	snop;
	(pc) =	sbr.rel @p0 .LBB2_2-.Ltmp2, $4  }
0x20e: {  	s13 =	sadd.s32 $0x60, s5  }
0x20f: {  	[hbm4b:s13+s3] =	stream.linear.scatter [tilespmem:s31], [sflag:$0x4], $0x80, $0x38;
	[tilespmem:$0xA600] =	vst v63  }
0x210: {  	s5 =	sadd.s32 $0x70, s5  }
0x211: {  	[hbm4b:s5+s3] =	stream.linear.scatter [tilespmem:s0], [sflag:$0x4], $0x80, $0x38;
	[tilespmem:$0xA600] =	vst v63  }
0x212: {  	s1 =	simm.s32 $0x3  }
0x213: {  	_ =	swait.ge [sflag:s1], $0x400  }
0x214: {  	[sflag:s1] =	ssyncset.done $0x0  }
0x215: {  	[sflag:s1] =	ssyncadd.s32 $0xFFFFFC00  }
0x216: {  	_ =	swait.ge [sflag:s1], $0x400  }
0x217: {  	[sflag:s1] =	ssyncset.done $0x0  }
0x218: {  	[sflag:s1] =	ssyncadd.s32 $0xFFFFFC00  }
0x219: {  	_ =	swait.ge [sflag:s1], $0x400  }
0x21a: {  	[sflag:s1] =	ssyncset.done $0x0  }
0x21b: {  	[sflag:s1] =	ssyncadd.s32 $0xFFFFFC00  }
0x21c: {  	_ =	swait.ge [sflag:s1], $0x400  }
0x21d: {  	[sflag:s1] =	ssyncset.done $0x0  }
0x21e: {  	s5 =	simm.s32 $0x4;
	[sflag:s1] =	ssyncadd.s32 $0xFFFFFC00  }
0x21f: {  	_ =	swait.ge [sflag:s5], $0x400  }
0x220: {  	[sflag:s5] =	ssyncset.done $0x0  }
0x221: {  	[sflag:s5] =	ssyncadd.s32 $0xFFFFFC00  }
0x222: {  	_ =	swait.ge [sflag:s5], $0x400  }
0x223: {  	[sflag:s5] =	ssyncset.done $0x0  }
0x224: {  	[sflag:s5] =	ssyncadd.s32 $0xFFFFFC00  }
0x225: {  	_ =	swait.ge [sflag:s5], $0x400  }
0x226: {  	[sflag:s5] =	ssyncset.done $0x0  }
0x227: {  	[sflag:s5] =	ssyncadd.s32 $0xFFFFFC00  }
0x228: {  	_ =	swait.ge [sflag:s5], $0x400  }
0x229: {  	s6 =	rddreg [dreg:$0x5]  }
0x22a: {  	s13 =	rddreg [dreg:$0x4];
	s6 =	sadd.s32 $0x1, s6  }
0x22b: {  	p0 =	sne.s32 s6, s13  }
.Ltmp3:
0x22c: {  	_ = 	snop;
	(pc) =	sbr.rel @p0 .LBB2_1-.Ltmp3, $3  }
0x22d: {  	_ =	sdelay $0x1  }
0x22e: {  	[sflag:s5] =	ssyncset.done $0x0  }
0x22f: {  	[sflag:s5] =	ssyncadd.s32 $0xFFFFFC00  }
0x230: {  	_ =	sfence.sel $0x180000  }
0x231: {  	[bflag:$0x0] =	sbarrier.arrive $0xFFFF  }
0x232: {  	_ =	strace $0x90000047  }
0x233: {  	s0 =	stileid.u32;
	[bflag:$0x2] =	sbarrier.arrive $0xFFFF  }
0x234: {  	p0 =	sne.s32 s0, $0x0;
	s0 =	rddreg [dreg:$0x2]  }
0x235: {  	s0 =	sadd.s32 @!p0 $0x100000, s0  }
0x236: {  	[sflag:s0] =	ssyncadd.tile.s32 @!p0 $0x1;
	_ =	shalt  }
.Lfunc_end2:
_tile_overlayer_lowered:
.L_overlay_start_2:
0x237: {  	(tag) =	ssettag $0x2  }
0x238: {  	s0 =	rddreg [dreg:$0x0];
	s2 =	stileid.u32  }
0x239: {  	s1 =	rddreg [dreg:$0x1];
	p0 =	sne.s32 s2, $0x0  }
0x23a: {  	s3 =	rddreg [dreg:$0x2];
	[bflag:$0x3] =	sbarrier.arrive $0xFFFF;
	s2 =	simm.s32 @!p0 $0x1C05  }
0x23b: {  	[timem:s3], [sflag:s2] =	dma.local @!p0 [hbm:s0], s1  }
0x23c: {  	s0 =	simm.s32 @!p0 $0x5  }
0x23d: {  	_ =	swait.ge @!p0 [sflag:s0], s1  }
0x23e: {  	s1 =	ssub.s32 @!p0 $0x0, s1;
	[sflag:s0] =	ssyncset.done @!p0 $0x0  }
0x23f: {  	[sflag:s0] =	ssyncadd.s32 @!p0 s1  }
0x240: {  	[bflag:$0x3] =	sbarrier.arrive $0xFFFF  }
0x241: {  	_ =	shalt  }

</sc_bundles>
